<compile_context>
chip_gen: v7x
topology: tpu7x:2x2x1
jax: 0.10.2.dev20260603
libtpu: 0.0.44.dev20260713+nightly
codegen_flags: <defaults>
</compile_context>

<pallas_src>
import functools

import jax
import jax.numpy as jnp
from jax import lax
from jax.experimental import pallas as pl
from jax.experimental.pallas import tpu as pltpu
from jax.experimental.pallas import tpu_sc as plsc

N = 10000
E = 160000
IN_C = 256
H = 4
C = 64
NEG = 0.2

NC = 2
NS = 16
L = 16
HC = 128

TPE = 10240
EPAD = NS * TPE
BK = 64
NB = TPE // BK
NP = 10240
RPT = NP // NS
RCH = 64
DN = 2 * NP


def _tc_body(x_ref, w_ref, b_ref, xw_ref, s_ref):
    y = jnp.dot(x_ref[...], w_ref[...], preferred_element_type=jnp.float32)
    xw_ref[0] = y[:, :HC]
    xw_ref[1] = y[:, HC:]
    s_ref[...] = jnp.dot(y, b_ref[...], preferred_element_type=jnp.float32)


def _tc_project(x, w, bp):
    r = 400
    return pl.pallas_call(
        _tc_body,
        grid=(N // r,),
        in_specs=[
            pl.BlockSpec((r, IN_C), lambda i: (i, 0)),
            pl.BlockSpec((IN_C, IN_C), lambda i: (0, 0)),
            pl.BlockSpec((IN_C, HC), lambda i: (0, 0)),
        ],
        out_specs=[
            pl.BlockSpec((NC, r, HC), lambda i: (0, i, 0)),
            pl.BlockSpec((r, HC), lambda i: (i, 0)),
        ],
        out_shape=[
            jax.ShapeDtypeStruct((NC, N, HC), jnp.float32),
            jax.ShapeDtypeStruct((N, HC), jnp.float32),
        ],
    )(x, w, bp)


def _tc_norm_body(u_ref, d_ref, b_ref, o_ref):
    inv = 1.0 / (d_ref[...][:, :H] + 1e-16)
    inv = jnp.broadcast_to(inv[:, :, None], (inv.shape[0], H, C))
    o_ref[...] = u_ref[...] * inv.reshape(inv.shape[0], H * C) + b_ref[...]


def _tc_norm(u, d, b2):
    r = 400
    return pl.pallas_call(
        _tc_norm_body,
        grid=(N // r,),
        in_specs=[
            pl.BlockSpec((r, IN_C), lambda i: (i, 0)),
            pl.BlockSpec((r, HC), lambda i: (i, 0)),
            pl.BlockSpec((1, IN_C), lambda i: (0, 0)),
        ],
        out_specs=pl.BlockSpec((r, IN_C), lambda i: (i, 0)),
        out_shape=jax.ShapeDtypeStruct((N, IN_C), jnp.float32),
    )(u, d, b2)


def _sc_body(xw_ref, st_ref, src_ref, dst_ref, outu_ref, outd_ref,
             accum, rows, sA, sB, srcb, dstb, denomp, gsem):
    c = lax.axis_index("c")
    s = lax.axis_index("s")
    iota = lax.iota(jnp.int32, L)
    zero = jnp.zeros((L,), jnp.float32)
    m0 = iota == 0
    nh = HC // L
    nh2 = nh // 2

    def _zrow(i, _):
        for v in range(nh):
            rows[i, pl.ds(v * L, L)] = zero
        return 0

    lax.fori_loop(0, BK, _zrow, 0)
    r0 = s * RPT
    for k in range(RPT // RCH):
        pltpu.sync_copy(rows.at[pl.ds(0, RCH)],
                        accum.at[pl.ds(r0 + k * RCH, RCH)])

    def _zd(i, _):
        denomp[pl.ds(i * L, L)] = zero
        return 0

    lax.fori_loop(0, DN // L, _zd, 0)
    plsc.subcore_barrier()

    ebase = s * TPE

    def _batch(b, _):
        off = ebase + b * BK
        pltpu.sync_copy(src_ref.at[pl.ds(off, BK)], srcb)
        pltpu.sync_copy(dst_ref.at[pl.ds(off, BK)], dstb)
        for j in range(BK // L):
            jo = pl.ds(j * L, L)
            srcb[jo] = srcb[jo] + c * N
            dstb[jo] = dstb[jo] + c * N
        d1 = pltpu.async_copy(st_ref.at[srcb], sA, gsem)
        d2 = pltpu.async_copy(st_ref.at[dstb], sB, gsem)
        d3 = pltpu.async_copy(xw_ref.at[srcb], rows, gsem)
        d1.wait()
        d2.wait()
        d3.wait()
        for j in range(BK // L):
            jo = pl.ds(j * L, L)
            dstb[jo] = dstb[jo] - c * N

        def _scale(jj, _):
            sv = sA[jj, pl.ds(0, L)]
            dv = sB[jj, pl.ds(0, L)]
            a0 = (jnp.full((L,), sv[0], jnp.float32)
                  + jnp.full((L,), dv[2], jnp.float32))
            a1 = (jnp.full((L,), sv[1], jnp.float32)
                  + jnp.full((L,), dv[3], jnp.float32))
            a0 = jnp.where(a0 >= 0, a0, NEG * a0)
            a1 = jnp.where(a1 >= 0, a1, NEG * a1)
            emask = jnp.full((L,), off + jj, jnp.int32) < E
            e0 = jnp.where(emask, jnp.exp(a0), zero)
            e1 = jnp.where(emask, jnp.exp(a1), zero)
            for v in range(nh):
                ev = e0 if v < nh2 else e1
                rows[jj, pl.ds(v * L, L)] = rows[jj, pl.ds(v * L, L)] * ev
            dd = dstb[pl.ds(jj, L)][0] * 2
            plsc.addupdate_scatter(denomp, [jnp.full((L,), dd, jnp.int32)],
                                   e0, mask=m0)
            plsc.addupdate_scatter(denomp, [jnp.full((L,), dd + 1, jnp.int32)],
                                   e1, mask=m0)
            return 0

        lax.fori_loop(0, BK, _scale, 0)
        pltpu.sync_copy(rows, accum.at[dstb], add=True)
        return 0

    lax.fori_loop(0, NB, _batch, 0)
    plsc.subcore_barrier()

    for k in range(RPT // RCH):
        r = r0 + k * RCH
        pltpu.sync_copy(accum.at[pl.ds(r, RCH)], rows.at[pl.ds(0, RCH)])
        pltpu.sync_copy(rows.at[pl.ds(0, RCH)],
                        outu_ref.at[pl.ds(c * NP + r, RCH)])
    pltpu.sync_copy(denomp, outd_ref.at[pl.ds((c * NS + s) * DN, DN)])


def _make_sc_call():
    return functools.partial(
        pl.kernel,
        compiler_params=pltpu.CompilerParams(needs_layout_passes=False),
        out_type=[
            jax.ShapeDtypeStruct((NC * NP, HC), jnp.float32),
            jax.ShapeDtypeStruct((NC * NS * DN,), jnp.float32),
        ],
        mesh=plsc.VectorSubcoreMesh(core_axis_name="c", subcore_axis_name="s"),
        scratch_types=[
            pltpu.VMEM_SHARED((NP, HC), jnp.float32),
            pltpu.VMEM((BK, HC), jnp.float32),
            pltpu.VMEM((BK, HC), jnp.float32),
            pltpu.VMEM((BK, HC), jnp.float32),
            pltpu.VMEM((BK,), jnp.int32),
            pltpu.VMEM((BK,), jnp.int32),
            pltpu.VMEM((DN,), jnp.float32),
            pltpu.SemaphoreType.DMA,
        ],
    )(_sc_body)


_sc_call = _make_sc_call()


def kernel(x, edge_index, weight, att, bias):
    att_src = att[0, :, :C]
    att_dst = att[0, :, C:]
    eye = jnp.eye(H, dtype=jnp.float32)
    bsrc = (att_src[:, :, None] * eye[:, None, :]).reshape(IN_C, H)
    bdst = (att_dst[:, :, None] * eye[:, None, :]).reshape(IN_C, H)
    bp = jnp.pad(jnp.concatenate([bsrc, bdst], axis=1),
                 ((0, 0), (0, HC - 2 * H)))

    xw2, s8 = _tc_project(x, weight, bp)
    sc0 = jnp.stack([s8[:, 0], s8[:, 1], s8[:, 4], s8[:, 5]], axis=-1)
    sc1 = jnp.stack([s8[:, 2], s8[:, 3], s8[:, 6], s8[:, 7]], axis=-1)
    st128 = jnp.pad(jnp.concatenate([sc0, sc1], axis=0),
                    ((0, 0), (0, HC - H)))

    srcp = jnp.pad(edge_index[0], (0, EPAD - E))
    dstp = jnp.pad(edge_index[1], (0, EPAD - E))

    outu, outd = _sc_call(xw2.reshape(NC * N, HC), st128, srcp, dstp)

    dpart = outd.reshape(NC, NS, DN).sum(axis=1)
    den = dpart[:, :2 * N].reshape(NC, N, 2)
    den4 = den.transpose(1, 0, 2).reshape(N, 2 * H // 2)
    dpad = jnp.pad(den4, ((0, 0), (0, HC - H)))

    u = jnp.concatenate([outu[:N], outu[NP:NP + N]], axis=1)
    return _tc_norm(u, dpad, bias.reshape(1, IN_C))

# --- scband reference (transcript-rebuilt; emitter-appended) ---
"""Pipeline reference for scband-gatconv-54296976556158 (READ-ONLY COPY).

The authoritative reference and input builder live on the scoring server;
editing this copy changes nothing except your own understanding.
"""

import jax, jax.numpy as jnp
import numpy as np

N = 10000
E = 160000
IN_C = 256
HEADS = 4
OUT_C = 64
NEG_SLOPE = 0.2


def _xavier(key, shape):
    fan_in, fan_out = shape[-2], shape[-1]
    limit = float(np.sqrt(6.0 / (fan_in + fan_out)))
    return jax.random.uniform(key, shape, jnp.float32, -limit, limit)


def setup_inputs(seed: int = 0) -> dict:
    key = jax.random.key(seed)
    k1, k2, k3, k4 = jax.random.split(key, 4)
    x = jax.random.normal(k1, (N, IN_C), dtype=jnp.float32)
    edge_index = jax.random.randint(k2, (2, E), 0, N, dtype=jnp.int32)
    weight = _xavier(k3, (IN_C, HEADS * OUT_C))
    att = _xavier(k4, (1, HEADS, 2 * OUT_C))
    bias = jnp.zeros((HEADS * OUT_C,), dtype=jnp.float32)
    return {"x": x, "edge_index": edge_index, "weight": weight, "att": att, "bias": bias}


def reference(x, edge_index, weight, att, bias):
    n = x.shape[0]
    xw = jnp.matmul(x, weight).reshape(n, HEADS, OUT_C)
    src = edge_index[0]
    dst = edge_index[1]
    x_src = jnp.take(xw, src, axis=0)  # [E, H, C]
    x_dst = jnp.take(xw, dst, axis=0)  # [E, H, C]
    a_input = jnp.concatenate([x_src, x_dst], axis=-1)  # [E, H, 2C]
    alpha = jnp.sum(a_input * att, axis=-1)  # [E, H]
    alpha = jnp.where(alpha >= 0, alpha, NEG_SLOPE * alpha)
    # segment softmax over destination nodes
    amax = jax.ops.segment_max(alpha, dst, num_segments=n)
    amax = jnp.where(jnp.isfinite(amax), amax, 0.0)
    ex = jnp.exp(alpha - jnp.take(amax, dst, axis=0))
    denom = jax.ops.segment_sum(ex, dst, num_segments=n)
    alpha_n = ex / (jnp.take(denom, dst, axis=0) + 1e-16)
    # dropout p=0.0 in eval -> identity
    msg = alpha_n[..., None] * x_src  # [E, H, C]
    out = jax.ops.segment_sum(msg, dst, num_segments=n)  # [N, H, C]
    out = out.reshape(n, HEADS * OUT_C)
    return out + bias

if __name__ == "__main__":
    import jax
    _d = setup_inputs()
    print(jax.jit(kernel)(*tuple(_d.values())))

</pallas_src>

<mosaic_0001>
#map = affine_map<(d0, d1) -> (0, 0)>
#map1 = affine_map<(d0, d1) -> (0)>
module attributes {stable_mosaic.version = 14 : i64} {
  func.func @_sc_body(%arg0: i32, %arg1: i32, %arg2: memref<20000x128xf32, #tpu.memory_space<hbm>>, %arg3: memref<20000x128xf32, #tpu.memory_space<hbm>>, %arg4: memref<163840xi32, #tpu.memory_space<hbm>>, %arg5: memref<163840xi32, #tpu.memory_space<hbm>>, %arg6: memref<20480x128xf32, #tpu.memory_space<hbm>>, %arg7: memref<655360xf32, #tpu.memory_space<hbm>>, %arg8: memref<10240x128xf32, #tpu.memory_space<vmem_shared>>, %arg9: memref<64x128xf32, #tpu.memory_space<vmem>>, %arg10: memref<64x128xf32, #tpu.memory_space<vmem>>, %arg11: memref<64x128xf32, #tpu.memory_space<vmem>>, %arg12: memref<64xi32, #tpu.memory_space<vmem>>, %arg13: memref<64xi32, #tpu.memory_space<vmem>>, %arg14: memref<20480xf32, #tpu.memory_space<vmem>>, %arg15: memref<!tpu.dma_semaphore, #tpu.memory_space<semaphore_mem>>) attributes {dimension_semantics = [#tpu.dimension_semantics<core_parallel>, #tpu.dimension_semantics<subcore_parallel>], iteration_bounds = array<i64: 2, 16>, scalar_prefetch = 0 : i64, scratch_operands = 8 : i64, tpu.core_type = #tpu.core_type<sc_vector_subcore>, window_params = [{transform_indices = #map}, {transform_indices = #map}, {transform_indices = #map1}, {transform_indices = #map1}, {transform_indices = #map}, {transform_indices = #map1}]} {
    %iota3A = tpu.iota {dimensions = array<i32: 0>} : vector<16xi32>
    %broadcast_in_dim3A = arith.constant 0.000000e+00 : f32
    %broadcast_in_dim3A_0 = vector.broadcast %broadcast_in_dim3A : f32 to vector<16xf32>
    %eq3A = arith.constant 0 : i32
    %eq3A_1 = vector.broadcast %eq3A : i32 to vector<16xi32>
    %eq3A_2 = arith.cmpi eq, %iota3A, %eq3A_1 : vector<16xi32>
    %scan3A = arith.constant 0 : i32
    %scan3A_3 = arith.constant 0 : i32
    %scan3A_4 = arith.constant 64 : i32
    %scan3A_5 = arith.addi %scan3A_3, %scan3A_4 : i32
    %scan3A_6 = arith.constant 1 : i32
    %scan3A_7 = scf.for %scan3A_101 = %scan3A_3 to %scan3A_5 step %scan3A_6 iter_args(%scan3A_102 = %scan3A) -> (i32)  : i32 {
      %swap3A = arith.index_cast %scan3A_101 : i32 to index
      %swap3A_103 = arith.constant 0 : index
      %swap3A_104 = tpu.vector_load %arg9[%swap3A, %swap3A_103] {strides = array<i32>} : memref<64x128xf32, #tpu.memory_space<vmem>>, vector<16xf32>,
      tpu.vector_store %arg9[%swap3A, %swap3A_103], %broadcast_in_dim3A_0 {strides = array<i32>} : memref<64x128xf32, #tpu.memory_space<vmem>>, vector<16xf32>,
      %swap3A_105 = arith.index_cast %scan3A_101 : i32 to index
      %swap3A_106 = arith.constant 16 : index
      %swap3A_107 = tpu.vector_load %arg9[%swap3A_105, %swap3A_106] {strides = array<i32>} : memref<64x128xf32, #tpu.memory_space<vmem>>, vector<16xf32>,
      tpu.vector_store %arg9[%swap3A_105, %swap3A_106], %broadcast_in_dim3A_0 {strides = array<i32>} : memref<64x128xf32, #tpu.memory_space<vmem>>, vector<16xf32>,
      %swap3A_108 = arith.index_cast %scan3A_101 : i32 to index
      %swap3A_109 = arith.constant 32 : index
      %swap3A_110 = tpu.vector_load %arg9[%swap3A_108, %swap3A_109] {strides = array<i32>} : memref<64x128xf32, #tpu.memory_space<vmem>>, vector<16xf32>,
      tpu.vector_store %arg9[%swap3A_108, %swap3A_109], %broadcast_in_dim3A_0 {strides = array<i32>} : memref<64x128xf32, #tpu.memory_space<vmem>>, vector<16xf32>,
      %swap3A_111 = arith.index_cast %scan3A_101 : i32 to index
      %swap3A_112 = arith.constant 48 : index
      %swap3A_113 = tpu.vector_load %arg9[%swap3A_111, %swap3A_112] {strides = array<i32>} : memref<64x128xf32, #tpu.memory_space<vmem>>, vector<16xf32>,
      tpu.vector_store %arg9[%swap3A_111, %swap3A_112], %broadcast_in_dim3A_0 {strides = array<i32>} : memref<64x128xf32, #tpu.memory_space<vmem>>, vector<16xf32>,
      %swap3A_114 = arith.index_cast %scan3A_101 : i32 to index
      %swap3A_115 = arith.constant 64 : index
      %swap3A_116 = tpu.vector_load %arg9[%swap3A_114, %swap3A_115] {strides = array<i32>} : memref<64x128xf32, #tpu.memory_space<vmem>>, vector<16xf32>,
      tpu.vector_store %arg9[%swap3A_114, %swap3A_115], %broadcast_in_dim3A_0 {strides = array<i32>} : memref<64x128xf32, #tpu.memory_space<vmem>>, vector<16xf32>,
      %swap3A_117 = arith.index_cast %scan3A_101 : i32 to index
      %swap3A_118 = arith.constant 80 : index
      %swap3A_119 = tpu.vector_load %arg9[%swap3A_117, %swap3A_118] {strides = array<i32>} : memref<64x128xf32, #tpu.memory_space<vmem>>, vector<16xf32>,
      tpu.vector_store %arg9[%swap3A_117, %swap3A_118], %broadcast_in_dim3A_0 {strides = array<i32>} : memref<64x128xf32, #tpu.memory_space<vmem>>, vector<16xf32>,
      %swap3A_120 = arith.index_cast %scan3A_101 : i32 to index
      %swap3A_121 = arith.constant 96 : index
      %swap3A_122 = tpu.vector_load %arg9[%swap3A_120, %swap3A_121] {strides = array<i32>} : memref<64x128xf32, #tpu.memory_space<vmem>>, vector<16xf32>,
      tpu.vector_store %arg9[%swap3A_120, %swap3A_121], %broadcast_in_dim3A_0 {strides = array<i32>} : memref<64x128xf32, #tpu.memory_space<vmem>>, vector<16xf32>,
      %swap3A_123 = arith.index_cast %scan3A_101 : i32 to index
      %swap3A_124 = arith.constant 112 : index
      %swap3A_125 = tpu.vector_load %arg9[%swap3A_123, %swap3A_124] {strides = array<i32>} : memref<64x128xf32, #tpu.memory_space<vmem>>, vector<16xf32>,
      tpu.vector_store %arg9[%swap3A_123, %swap3A_124], %broadcast_in_dim3A_0 {strides = array<i32>} : memref<64x128xf32, #tpu.memory_space<vmem>>, vector<16xf32>,
      %scan3A_126 = arith.constant 0 : i32
      scf.yield %scan3A_126 : i32
    }
    %scan3A_8 = arith.constant 64 : i32
    %mul3A = arith.constant 640 : i32
    %mul3A_9 = arith.muli %arg1, %mul3A : i32
    %add3A = arith.constant 0 : i32
    %add3A_10 = arith.addi %mul3A_9, %add3A : i32
    "tpu.region"() ({
      %run_scoped3A = tpu.sem_alloc : memref<!tpu.dma_semaphore, #tpu.memory_space<semaphore_mem>>
      %dma_start3A = arith.constant 0 : i32
      %dma_start3A_101 = arith.constant 0 : i32
      %dma_start3A_102 = tpu.memref_slice %arg9[%dma_start3A, %dma_start3A_101] : memref<64x128xf32, #tpu.memory_space<vmem>> -> memref<64x128xf32, #tpu.memory_space<vmem>>
      %dma_start3A_103 = arith.constant 0 : i32
      %dma_start3A_104 = tpu.memref_slice %arg8[%add3A_10, %dma_start3A_103] : memref<10240x128xf32, #tpu.memory_space<vmem_shared>> -> memref<64x128xf32, #tpu.memory_space<vmem_shared>>
      %dma_start3A_105 = arith.constant 0 : i32
      %dma_start3A_106 = tpu.memref_slice %arg8[%add3A_10, %dma_start3A_105] : memref<10240x128xf32, #tpu.memory_space<vmem_shared>> -> memref<64x128xf32, #tpu.memory_space<vmem_shared>>
      %dma_start3A_107 = arith.constant 0 : i32
      %dma_start3A_108 = arith.constant 0 : i32
      %dma_start3A_109 = tpu.memref_slice %arg9[%dma_start3A_107, %dma_start3A_108] : memref<64x128xf32, #tpu.memory_space<vmem>> -> memref<64x128xf32, #tpu.memory_space<vmem>>
      tpu.enqueue_dma source(%dma_start3A_109 : memref<64x128xf32, #tpu.memory_space<vmem>>) target(%dma_start3A_106 : memref<64x128xf32, #tpu.memory_space<vmem_shared>>) target_semaphore(%run_scoped3A : memref<!tpu.dma_semaphore, #tpu.memory_space<semaphore_mem>>)
      %dma_wait3A = arith.constant 0 : i32
      %dma_wait3A_110 = arith.constant 0 : i32
      %dma_wait3A_111 = tpu.memref_slice %arg9[%dma_wait3A, %dma_wait3A_110] : memref<64x128xf32, #tpu.memory_space<vmem>> -> memref<64x128xf32, #tpu.memory_space<vmem>>
      %dma_wait3A_112 = arith.constant 0 : i32
      %dma_wait3A_113 = tpu.memref_slice %arg8[%add3A_10, %dma_wait3A_112] : memref<10240x128xf32, #tpu.memory_space<vmem_shared>> -> memref<64x128xf32, #tpu.memory_space<vmem_shared>>
      %dma_wait3A_114 = arith.constant 0 : i32
      %dma_wait3A_115 = tpu.memref_slice %arg8[%add3A_10, %dma_wait3A_114] : memref<10240x128xf32, #tpu.memory_space<vmem_shared>> -> memref<64x128xf32, #tpu.memory_space<vmem_shared>>
      %dma_wait3A_116 = arith.constant 0 : i32
      %dma_wait3A_117 = arith.constant 0 : i32
      %dma_wait3A_118 = tpu.memref_slice %arg9[%dma_wait3A_116, %dma_wait3A_117] : memref<64x128xf32, #tpu.memory_space<vmem>> -> memref<64x128xf32, #tpu.memory_space<vmem>>
      tpu.wait_dma2 semaphore(%run_scoped3A : memref<!tpu.dma_semaphore, #tpu.memory_space<semaphore_mem>>) src(%dma_wait3A_118 : memref<64x128xf32, #tpu.memory_space<vmem>>) dst(%dma_wait3A_115 : memref<64x128xf32, #tpu.memory_space<vmem_shared>>)
      tpu.yield
    }) : () -> ()
    %add3A_11 = arith.constant 64 : i32
    %add3A_12 = arith.addi %mul3A_9, %add3A_11 : i32
    "tpu.region"() ({
      %run_scoped3A = tpu.sem_alloc : memref<!tpu.dma_semaphore, #tpu.memory_space<semaphore_mem>>
      %dma_start3A = arith.constant 0 : i32
      %dma_start3A_101 = arith.constant 0 : i32
      %dma_start3A_102 = tpu.memref_slice %arg9[%dma_start3A, %dma_start3A_101] : memref<64x128xf32, #tpu.memory_space<vmem>> -> memref<64x128xf32, #tpu.memory_space<vmem>>
      %dma_start3A_103 = arith.constant 0 : i32
      %dma_start3A_104 = tpu.memref_slice %arg8[%add3A_12, %dma_start3A_103] : memref<10240x128xf32, #tpu.memory_space<vmem_shared>> -> memref<64x128xf32, #tpu.memory_space<vmem_shared>>
      %dma_start3A_105 = arith.constant 0 : i32
      %dma_start3A_106 = tpu.memref_slice %arg8[%add3A_12, %dma_start3A_105] : memref<10240x128xf32, #tpu.memory_space<vmem_shared>> -> memref<64x128xf32, #tpu.memory_space<vmem_shared>>
      %dma_start3A_107 = arith.constant 0 : i32
      %dma_start3A_108 = arith.constant 0 : i32
      %dma_start3A_109 = tpu.memref_slice %arg9[%dma_start3A_107, %dma_start3A_108] : memref<64x128xf32, #tpu.memory_space<vmem>> -> memref<64x128xf32, #tpu.memory_space<vmem>>
      tpu.enqueue_dma source(%dma_start3A_109 : memref<64x128xf32, #tpu.memory_space<vmem>>) target(%dma_start3A_106 : memref<64x128xf32, #tpu.memory_space<vmem_shared>>) target_semaphore(%run_scoped3A : memref<!tpu.dma_semaphore, #tpu.memory_space<semaphore_mem>>)
      %dma_wait3A = arith.constant 0 : i32
      %dma_wait3A_110 = arith.constant 0 : i32
      %dma_wait3A_111 = tpu.memref_slice %arg9[%dma_wait3A, %dma_wait3A_110] : memref<64x128xf32, #tpu.memory_space<vmem>> -> memref<64x128xf32, #tpu.memory_space<vmem>>
      %dma_wait3A_112 = arith.constant 0 : i32
      %dma_wait3A_113 = tpu.memref_slice %arg8[%add3A_12, %dma_wait3A_112] : memref<10240x128xf32, #tpu.memory_space<vmem_shared>> -> memref<64x128xf32, #tpu.memory_space<vmem_shared>>
      %dma_wait3A_114 = arith.constant 0 : i32
      %dma_wait3A_115 = tpu.memref_slice %arg8[%add3A_12, %dma_wait3A_114] : memref<10240x128xf32, #tpu.memory_space<vmem_shared>> -> memref<64x128xf32, #tpu.memory_space<vmem_shared>>
      %dma_wait3A_116 = arith.constant 0 : i32
      %dma_wait3A_117 = arith.constant 0 : i32
      %dma_wait3A_118 = tpu.memref_slice %arg9[%dma_wait3A_116, %dma_wait3A_117] : memref<64x128xf32, #tpu.memory_space<vmem>> -> memref<64x128xf32, #tpu.memory_space<vmem>>
      tpu.wait_dma2 semaphore(%run_scoped3A : memref<!tpu.dma_semaphore, #tpu.memory_space<semaphore_mem>>) src(%dma_wait3A_118 : memref<64x128xf32, #tpu.memory_space<vmem>>) dst(%dma_wait3A_115 : memref<64x128xf32, #tpu.memory_space<vmem_shared>>)
      tpu.yield
    }) : () -> ()
    %add3A_13 = arith.constant 128 : i32
    %add3A_14 = arith.addi %mul3A_9, %add3A_13 : i32
    "tpu.region"() ({
      %run_scoped3A = tpu.sem_alloc : memref<!tpu.dma_semaphore, #tpu.memory_space<semaphore_mem>>
      %dma_start3A = arith.constant 0 : i32
      %dma_start3A_101 = arith.constant 0 : i32
      %dma_start3A_102 = tpu.memref_slice %arg9[%dma_start3A, %dma_start3A_101] : memref<64x128xf32, #tpu.memory_space<vmem>> -> memref<64x128xf32, #tpu.memory_space<vmem>>
      %dma_start3A_103 = arith.constant 0 : i32
      %dma_start3A_104 = tpu.memref_slice %arg8[%add3A_14, %dma_start3A_103] : memref<10240x128xf32, #tpu.memory_space<vmem_shared>> -> memref<64x128xf32, #tpu.memory_space<vmem_shared>>
      %dma_start3A_105 = arith.constant 0 : i32
      %dma_start3A_106 = tpu.memref_slice %arg8[%add3A_14, %dma_start3A_105] : memref<10240x128xf32, #tpu.memory_space<vmem_shared>> -> memref<64x128xf32, #tpu.memory_space<vmem_shared>>
      %dma_start3A_107 = arith.constant 0 : i32
      %dma_start3A_108 = arith.constant 0 : i32
      %dma_start3A_109 = tpu.memref_slice %arg9[%dma_start3A_107, %dma_start3A_108] : memref<64x128xf32, #tpu.memory_space<vmem>> -> memref<64x128xf32, #tpu.memory_space<vmem>>
      tpu.enqueue_dma source(%dma_start3A_109 : memref<64x128xf32, #tpu.memory_space<vmem>>) target(%dma_start3A_106 : memref<64x128xf32, #tpu.memory_space<vmem_shared>>) target_semaphore(%run_scoped3A : memref<!tpu.dma_semaphore, #tpu.memory_space<semaphore_mem>>)
      %dma_wait3A = arith.constant 0 : i32
      %dma_wait3A_110 = arith.constant 0 : i32
      %dma_wait3A_111 = tpu.memref_slice %arg9[%dma_wait3A, %dma_wait3A_110] : memref<64x128xf32, #tpu.memory_space<vmem>> -> memref<64x128xf32, #tpu.memory_space<vmem>>
      %dma_wait3A_112 = arith.constant 0 : i32
      %dma_wait3A_113 = tpu.memref_slice %arg8[%add3A_14, %dma_wait3A_112] : memref<10240x128xf32, #tpu.memory_space<vmem_shared>> -> memref<64x128xf32, #tpu.memory_space<vmem_shared>>
      %dma_wait3A_114 = arith.constant 0 : i32
      %dma_wait3A_115 = tpu.memref_slice %arg8[%add3A_14, %dma_wait3A_114] : memref<10240x128xf32, #tpu.memory_space<vmem_shared>> -> memref<64x128xf32, #tpu.memory_space<vmem_shared>>
      %dma_wait3A_116 = arith.constant 0 : i32
      %dma_wait3A_117 = arith.constant 0 : i32
      %dma_wait3A_118 = tpu.memref_slice %arg9[%dma_wait3A_116, %dma_wait3A_117] : memref<64x128xf32, #tpu.memory_space<vmem>> -> memref<64x128xf32, #tpu.memory_space<vmem>>
      tpu.wait_dma2 semaphore(%run_scoped3A : memref<!tpu.dma_semaphore, #tpu.memory_space<semaphore_mem>>) src(%dma_wait3A_118 : memref<64x128xf32, #tpu.memory_space<vmem>>) dst(%dma_wait3A_115 : memref<64x128xf32, #tpu.memory_space<vmem_shared>>)
      tpu.yield
    }) : () -> ()
    %add3A_15 = arith.constant 192 : i32
    %add3A_16 = arith.addi %mul3A_9, %add3A_15 : i32
    "tpu.region"() ({
      %run_scoped3A = tpu.sem_alloc : memref<!tpu.dma_semaphore, #tpu.memory_space<semaphore_mem>>
      %dma_start3A = arith.constant 0 : i32
      %dma_start3A_101 = arith.constant 0 : i32
      %dma_start3A_102 = tpu.memref_slice %arg9[%dma_start3A, %dma_start3A_101] : memref<64x128xf32, #tpu.memory_space<vmem>> -> memref<64x128xf32, #tpu.memory_space<vmem>>
      %dma_start3A_103 = arith.constant 0 : i32
      %dma_start3A_104 = tpu.memref_slice %arg8[%add3A_16, %dma_start3A_103] : memref<10240x128xf32, #tpu.memory_space<vmem_shared>> -> memref<64x128xf32, #tpu.memory_space<vmem_shared>>
      %dma_start3A_105 = arith.constant 0 : i32
      %dma_start3A_106 = tpu.memref_slice %arg8[%add3A_16, %dma_start3A_105] : memref<10240x128xf32, #tpu.memory_space<vmem_shared>> -> memref<64x128xf32, #tpu.memory_space<vmem_shared>>
      %dma_start3A_107 = arith.constant 0 : i32
      %dma_start3A_108 = arith.constant 0 : i32
      %dma_start3A_109 = tpu.memref_slice %arg9[%dma_start3A_107, %dma_start3A_108] : memref<64x128xf32, #tpu.memory_space<vmem>> -> memref<64x128xf32, #tpu.memory_space<vmem>>
      tpu.enqueue_dma source(%dma_start3A_109 : memref<64x128xf32, #tpu.memory_space<vmem>>) target(%dma_start3A_106 : memref<64x128xf32, #tpu.memory_space<vmem_shared>>) target_semaphore(%run_scoped3A : memref<!tpu.dma_semaphore, #tpu.memory_space<semaphore_mem>>)
      %dma_wait3A = arith.constant 0 : i32
      %dma_wait3A_110 = arith.constant 0 : i32
      %dma_wait3A_111 = tpu.memref_slice %arg9[%dma_wait3A, %dma_wait3A_110] : memref<64x128xf32, #tpu.memory_space<vmem>> -> memref<64x128xf32, #tpu.memory_space<vmem>>
      %dma_wait3A_112 = arith.constant 0 : i32
      %dma_wait3A_113 = tpu.memref_slice %arg8[%add3A_16, %dma_wait3A_112] : memref<10240x128xf32, #tpu.memory_space<vmem_shared>> -> memref<64x128xf32, #tpu.memory_space<vmem_shared>>
      %dma_wait3A_114 = arith.constant 0 : i32
      %dma_wait3A_115 = tpu.memref_slice %arg8[%add3A_16, %dma_wait3A_114] : memref<10240x128xf32, #tpu.memory_space<vmem_shared>> -> memref<64x128xf32, #tpu.memory_space<vmem_shared>>
      %dma_wait3A_116 = arith.constant 0 : i32
      %dma_wait3A_117 = arith.constant 0 : i32
      %dma_wait3A_118 = tpu.memref_slice %arg9[%dma_wait3A_116, %dma_wait3A_117] : memref<64x128xf32, #tpu.memory_space<vmem>> -> memref<64x128xf32, #tpu.memory_space<vmem>>
      tpu.wait_dma2 semaphore(%run_scoped3A : memref<!tpu.dma_semaphore, #tpu.memory_space<semaphore_mem>>) src(%dma_wait3A_118 : memref<64x128xf32, #tpu.memory_space<vmem>>) dst(%dma_wait3A_115 : memref<64x128xf32, #tpu.memory_space<vmem_shared>>)
      tpu.yield
    }) : () -> ()
    %add3A_17 = arith.constant 256 : i32
    %add3A_18 = arith.addi %mul3A_9, %add3A_17 : i32
    "tpu.region"() ({
      %run_scoped3A = tpu.sem_alloc : memref<!tpu.dma_semaphore, #tpu.memory_space<semaphore_mem>>
      %dma_start3A = arith.constant 0 : i32
      %dma_start3A_101 = arith.constant 0 : i32
      %dma_start3A_102 = tpu.memref_slice %arg9[%dma_start3A, %dma_start3A_101] : memref<64x128xf32, #tpu.memory_space<vmem>> -> memref<64x128xf32, #tpu.memory_space<vmem>>
      %dma_start3A_103 = arith.constant 0 : i32
      %dma_start3A_104 = tpu.memref_slice %arg8[%add3A_18, %dma_start3A_103] : memref<10240x128xf32, #tpu.memory_space<vmem_shared>> -> memref<64x128xf32, #tpu.memory_space<vmem_shared>>
      %dma_start3A_105 = arith.constant 0 : i32
      %dma_start3A_106 = tpu.memref_slice %arg8[%add3A_18, %dma_start3A_105] : memref<10240x128xf32, #tpu.memory_space<vmem_shared>> -> memref<64x128xf32, #tpu.memory_space<vmem_shared>>
      %dma_start3A_107 = arith.constant 0 : i32
      %dma_start3A_108 = arith.constant 0 : i32
      %dma_start3A_109 = tpu.memref_slice %arg9[%dma_start3A_107, %dma_start3A_108] : memref<64x128xf32, #tpu.memory_space<vmem>> -> memref<64x128xf32, #tpu.memory_space<vmem>>
      tpu.enqueue_dma source(%dma_start3A_109 : memref<64x128xf32, #tpu.memory_space<vmem>>) target(%dma_start3A_106 : memref<64x128xf32, #tpu.memory_space<vmem_shared>>) target_semaphore(%run_scoped3A : memref<!tpu.dma_semaphore, #tpu.memory_space<semaphore_mem>>)
      %dma_wait3A = arith.constant 0 : i32
      %dma_wait3A_110 = arith.constant 0 : i32
      %dma_wait3A_111 = tpu.memref_slice %arg9[%dma_wait3A, %dma_wait3A_110] : memref<64x128xf32, #tpu.memory_space<vmem>> -> memref<64x128xf32, #tpu.memory_space<vmem>>
      %dma_wait3A_112 = arith.constant 0 : i32
      %dma_wait3A_113 = tpu.memref_slice %arg8[%add3A_18, %dma_wait3A_112] : memref<10240x128xf32, #tpu.memory_space<vmem_shared>> -> memref<64x128xf32, #tpu.memory_space<vmem_shared>>
      %dma_wait3A_114 = arith.constant 0 : i32
      %dma_wait3A_115 = tpu.memref_slice %arg8[%add3A_18, %dma_wait3A_114] : memref<10240x128xf32, #tpu.memory_space<vmem_shared>> -> memref<64x128xf32, #tpu.memory_space<vmem_shared>>
      %dma_wait3A_116 = arith.constant 0 : i32
      %dma_wait3A_117 = arith.constant 0 : i32
      %dma_wait3A_118 = tpu.memref_slice %arg9[%dma_wait3A_116, %dma_wait3A_117] : memref<64x128xf32, #tpu.memory_space<vmem>> -> memref<64x128xf32, #tpu.memory_space<vmem>>
      tpu.wait_dma2 semaphore(%run_scoped3A : memref<!tpu.dma_semaphore, #tpu.memory_space<semaphore_mem>>) src(%dma_wait3A_118 : memref<64x128xf32, #tpu.memory_space<vmem>>) dst(%dma_wait3A_115 : memref<64x128xf32, #tpu.memory_space<vmem_shared>>)
      tpu.yield
    }) : () -> ()
    %add3A_19 = arith.constant 320 : i32
    %add3A_20 = arith.addi %mul3A_9, %add3A_19 : i32
    "tpu.region"() ({
      %run_scoped3A = tpu.sem_alloc : memref<!tpu.dma_semaphore, #tpu.memory_space<semaphore_mem>>
      %dma_start3A = arith.constant 0 : i32
      %dma_start3A_101 = arith.constant 0 : i32
      %dma_start3A_102 = tpu.memref_slice %arg9[%dma_start3A, %dma_start3A_101] : memref<64x128xf32, #tpu.memory_space<vmem>> -> memref<64x128xf32, #tpu.memory_space<vmem>>
      %dma_start3A_103 = arith.constant 0 : i32
      %dma_start3A_104 = tpu.memref_slice %arg8[%add3A_20, %dma_start3A_103] : memref<10240x128xf32, #tpu.memory_space<vmem_shared>> -> memref<64x128xf32, #tpu.memory_space<vmem_shared>>
      %dma_start3A_105 = arith.constant 0 : i32
      %dma_start3A_106 = tpu.memref_slice %arg8[%add3A_20, %dma_start3A_105] : memref<10240x128xf32, #tpu.memory_space<vmem_shared>> -> memref<64x128xf32, #tpu.memory_space<vmem_shared>>
      %dma_start3A_107 = arith.constant 0 : i32
      %dma_start3A_108 = arith.constant 0 : i32
      %dma_start3A_109 = tpu.memref_slice %arg9[%dma_start3A_107, %dma_start3A_108] : memref<64x128xf32, #tpu.memory_space<vmem>> -> memref<64x128xf32, #tpu.memory_space<vmem>>
      tpu.enqueue_dma source(%dma_start3A_109 : memref<64x128xf32, #tpu.memory_space<vmem>>) target(%dma_start3A_106 : memref<64x128xf32, #tpu.memory_space<vmem_shared>>) target_semaphore(%run_scoped3A : memref<!tpu.dma_semaphore, #tpu.memory_space<semaphore_mem>>)
      %dma_wait3A = arith.constant 0 : i32
      %dma_wait3A_110 = arith.constant 0 : i32
      %dma_wait3A_111 = tpu.memref_slice %arg9[%dma_wait3A, %dma_wait3A_110] : memref<64x128xf32, #tpu.memory_space<vmem>> -> memref<64x128xf32, #tpu.memory_space<vmem>>
      %dma_wait3A_112 = arith.constant 0 : i32
      %dma_wait3A_113 = tpu.memref_slice %arg8[%add3A_20, %dma_wait3A_112] : memref<10240x128xf32, #tpu.memory_space<vmem_shared>> -> memref<64x128xf32, #tpu.memory_space<vmem_shared>>
      %dma_wait3A_114 = arith.constant 0 : i32
      %dma_wait3A_115 = tpu.memref_slice %arg8[%add3A_20, %dma_wait3A_114] : memref<10240x128xf32, #tpu.memory_space<vmem_shared>> -> memref<64x128xf32, #tpu.memory_space<vmem_shared>>
      %dma_wait3A_116 = arith.constant 0 : i32
      %dma_wait3A_117 = arith.constant 0 : i32
      %dma_wait3A_118 = tpu.memref_slice %arg9[%dma_wait3A_116, %dma_wait3A_117] : memref<64x128xf32, #tpu.memory_space<vmem>> -> memref<64x128xf32, #tpu.memory_space<vmem>>
      tpu.wait_dma2 semaphore(%run_scoped3A : memref<!tpu.dma_semaphore, #tpu.memory_space<semaphore_mem>>) src(%dma_wait3A_118 : memref<64x128xf32, #tpu.memory_space<vmem>>) dst(%dma_wait3A_115 : memref<64x128xf32, #tpu.memory_space<vmem_shared>>)
      tpu.yield
    }) : () -> ()
    %add3A_21 = arith.constant 384 : i32
    %add3A_22 = arith.addi %mul3A_9, %add3A_21 : i32
    "tpu.region"() ({
      %run_scoped3A = tpu.sem_alloc : memref<!tpu.dma_semaphore, #tpu.memory_space<semaphore_mem>>
      %dma_start3A = arith.constant 0 : i32
      %dma_start3A_101 = arith.constant 0 : i32
      %dma_start3A_102 = tpu.memref_slice %arg9[%dma_start3A, %dma_start3A_101] : memref<64x128xf32, #tpu.memory_space<vmem>> -> memref<64x128xf32, #tpu.memory_space<vmem>>
      %dma_start3A_103 = arith.constant 0 : i32
      %dma_start3A_104 = tpu.memref_slice %arg8[%add3A_22, %dma_start3A_103] : memref<10240x128xf32, #tpu.memory_space<vmem_shared>> -> memref<64x128xf32, #tpu.memory_space<vmem_shared>>
      %dma_start3A_105 = arith.constant 0 : i32
      %dma_start3A_106 = tpu.memref_slice %arg8[%add3A_22, %dma_start3A_105] : memref<10240x128xf32, #tpu.memory_space<vmem_shared>> -> memref<64x128xf32, #tpu.memory_space<vmem_shared>>
      %dma_start3A_107 = arith.constant 0 : i32
      %dma_start3A_108 = arith.constant 0 : i32
      %dma_start3A_109 = tpu.memref_slice %arg9[%dma_start3A_107, %dma_start3A_108] : memref<64x128xf32, #tpu.memory_space<vmem>> -> memref<64x128xf32, #tpu.memory_space<vmem>>
      tpu.enqueue_dma source(%dma_start3A_109 : memref<64x128xf32, #tpu.memory_space<vmem>>) target(%dma_start3A_106 : memref<64x128xf32, #tpu.memory_space<vmem_shared>>) target_semaphore(%run_scoped3A : memref<!tpu.dma_semaphore, #tpu.memory_space<semaphore_mem>>)
      %dma_wait3A = arith.constant 0 : i32
      %dma_wait3A_110 = arith.constant 0 : i32
      %dma_wait3A_111 = tpu.memref_slice %arg9[%dma_wait3A, %dma_wait3A_110] : memref<64x128xf32, #tpu.memory_space<vmem>> -> memref<64x128xf32, #tpu.memory_space<vmem>>
      %dma_wait3A_112 = arith.constant 0 : i32
      %dma_wait3A_113 = tpu.memref_slice %arg8[%add3A_22, %dma_wait3A_112] : memref<10240x128xf32, #tpu.memory_space<vmem_shared>> -> memref<64x128xf32, #tpu.memory_space<vmem_shared>>
      %dma_wait3A_114 = arith.constant 0 : i32
      %dma_wait3A_115 = tpu.memref_slice %arg8[%add3A_22, %dma_wait3A_114] : memref<10240x128xf32, #tpu.memory_space<vmem_shared>> -> memref<64x128xf32, #tpu.memory_space<vmem_shared>>
      %dma_wait3A_116 = arith.constant 0 : i32
      %dma_wait3A_117 = arith.constant 0 : i32
      %dma_wait3A_118 = tpu.memref_slice %arg9[%dma_wait3A_116, %dma_wait3A_117] : memref<64x128xf32, #tpu.memory_space<vmem>> -> memref<64x128xf32, #tpu.memory_space<vmem>>
      tpu.wait_dma2 semaphore(%run_scoped3A : memref<!tpu.dma_semaphore, #tpu.memory_space<semaphore_mem>>) src(%dma_wait3A_118 : memref<64x128xf32, #tpu.memory_space<vmem>>) dst(%dma_wait3A_115 : memref<64x128xf32, #tpu.memory_space<vmem_shared>>)
      tpu.yield
    }) : () -> ()
    %add3A_23 = arith.constant 448 : i32
    %add3A_24 = arith.addi %mul3A_9, %add3A_23 : i32
    "tpu.region"() ({
      %run_scoped3A = tpu.sem_alloc : memref<!tpu.dma_semaphore, #tpu.memory_space<semaphore_mem>>
      %dma_start3A = arith.constant 0 : i32
      %dma_start3A_101 = arith.constant 0 : i32
      %dma_start3A_102 = tpu.memref_slice %arg9[%dma_start3A, %dma_start3A_101] : memref<64x128xf32, #tpu.memory_space<vmem>> -> memref<64x128xf32, #tpu.memory_space<vmem>>
      %dma_start3A_103 = arith.constant 0 : i32
      %dma_start3A_104 = tpu.memref_slice %arg8[%add3A_24, %dma_start3A_103] : memref<10240x128xf32, #tpu.memory_space<vmem_shared>> -> memref<64x128xf32, #tpu.memory_space<vmem_shared>>
      %dma_start3A_105 = arith.constant 0 : i32
      %dma_start3A_106 = tpu.memref_slice %arg8[%add3A_24, %dma_start3A_105] : memref<10240x128xf32, #tpu.memory_space<vmem_shared>> -> memref<64x128xf32, #tpu.memory_space<vmem_shared>>
      %dma_start3A_107 = arith.constant 0 : i32
      %dma_start3A_108 = arith.constant 0 : i32
      %dma_start3A_109 = tpu.memref_slice %arg9[%dma_start3A_107, %dma_start3A_108] : memref<64x128xf32, #tpu.memory_space<vmem>> -> memref<64x128xf32, #tpu.memory_space<vmem>>
      tpu.enqueue_dma source(%dma_start3A_109 : memref<64x128xf32, #tpu.memory_space<vmem>>) target(%dma_start3A_106 : memref<64x128xf32, #tpu.memory_space<vmem_shared>>) target_semaphore(%run_scoped3A : memref<!tpu.dma_semaphore, #tpu.memory_space<semaphore_mem>>)
      %dma_wait3A = arith.constant 0 : i32
      %dma_wait3A_110 = arith.constant 0 : i32
      %dma_wait3A_111 = tpu.memref_slice %arg9[%dma_wait3A, %dma_wait3A_110] : memref<64x128xf32, #tpu.memory_space<vmem>> -> memref<64x128xf32, #tpu.memory_space<vmem>>
      %dma_wait3A_112 = arith.constant 0 : i32
      %dma_wait3A_113 = tpu.memref_slice %arg8[%add3A_24, %dma_wait3A_112] : memref<10240x128xf32, #tpu.memory_space<vmem_shared>> -> memref<64x128xf32, #tpu.memory_space<vmem_shared>>
      %dma_wait3A_114 = arith.constant 0 : i32
      %dma_wait3A_115 = tpu.memref_slice %arg8[%add3A_24, %dma_wait3A_114] : memref<10240x128xf32, #tpu.memory_space<vmem_shared>> -> memref<64x128xf32, #tpu.memory_space<vmem_shared>>
      %dma_wait3A_116 = arith.constant 0 : i32
      %dma_wait3A_117 = arith.constant 0 : i32
      %dma_wait3A_118 = tpu.memref_slice %arg9[%dma_wait3A_116, %dma_wait3A_117] : memref<64x128xf32, #tpu.memory_space<vmem>> -> memref<64x128xf32, #tpu.memory_space<vmem>>
      tpu.wait_dma2 semaphore(%run_scoped3A : memref<!tpu.dma_semaphore, #tpu.memory_space<semaphore_mem>>) src(%dma_wait3A_118 : memref<64x128xf32, #tpu.memory_space<vmem>>) dst(%dma_wait3A_115 : memref<64x128xf32, #tpu.memory_space<vmem_shared>>)
      tpu.yield
    }) : () -> ()
    %add3A_25 = arith.constant 512 : i32
    %add3A_26 = arith.addi %mul3A_9, %add3A_25 : i32
    "tpu.region"() ({
      %run_scoped3A = tpu.sem_alloc : memref<!tpu.dma_semaphore, #tpu.memory_space<semaphore_mem>>
      %dma_start3A = arith.constant 0 : i32
      %dma_start3A_101 = arith.constant 0 : i32
      %dma_start3A_102 = tpu.memref_slice %arg9[%dma_start3A, %dma_start3A_101] : memref<64x128xf32, #tpu.memory_space<vmem>> -> memref<64x128xf32, #tpu.memory_space<vmem>>
      %dma_start3A_103 = arith.constant 0 : i32
      %dma_start3A_104 = tpu.memref_slice %arg8[%add3A_26, %dma_start3A_103] : memref<10240x128xf32, #tpu.memory_space<vmem_shared>> -> memref<64x128xf32, #tpu.memory_space<vmem_shared>>
      %dma_start3A_105 = arith.constant 0 : i32
      %dma_start3A_106 = tpu.memref_slice %arg8[%add3A_26, %dma_start3A_105] : memref<10240x128xf32, #tpu.memory_space<vmem_shared>> -> memref<64x128xf32, #tpu.memory_space<vmem_shared>>
      %dma_start3A_107 = arith.constant 0 : i32
      %dma_start3A_108 = arith.constant 0 : i32
      %dma_start3A_109 = tpu.memref_slice %arg9[%dma_start3A_107, %dma_start3A_108] : memref<64x128xf32, #tpu.memory_space<vmem>> -> memref<64x128xf32, #tpu.memory_space<vmem>>
      tpu.enqueue_dma source(%dma_start3A_109 : memref<64x128xf32, #tpu.memory_space<vmem>>) target(%dma_start3A_106 : memref<64x128xf32, #tpu.memory_space<vmem_shared>>) target_semaphore(%run_scoped3A : memref<!tpu.dma_semaphore, #tpu.memory_space<semaphore_mem>>)
      %dma_wait3A = arith.constant 0 : i32
      %dma_wait3A_110 = arith.constant 0 : i32
      %dma_wait3A_111 = tpu.memref_slice %arg9[%dma_wait3A, %dma_wait3A_110] : memref<64x128xf32, #tpu.memory_space<vmem>> -> memref<64x128xf32, #tpu.memory_space<vmem>>
      %dma_wait3A_112 = arith.constant 0 : i32
      %dma_wait3A_113 = tpu.memref_slice %arg8[%add3A_26, %dma_wait3A_112] : memref<10240x128xf32, #tpu.memory_space<vmem_shared>> -> memref<64x128xf32, #tpu.memory_space<vmem_shared>>
      %dma_wait3A_114 = arith.constant 0 : i32
      %dma_wait3A_115 = tpu.memref_slice %arg8[%add3A_26, %dma_wait3A_114] : memref<10240x128xf32, #tpu.memory_space<vmem_shared>> -> memref<64x128xf32, #tpu.memory_space<vmem_shared>>
      %dma_wait3A_116 = arith.constant 0 : i32
      %dma_wait3A_117 = arith.constant 0 : i32
      %dma_wait3A_118 = tpu.memref_slice %arg9[%dma_wait3A_116, %dma_wait3A_117] : memref<64x128xf32, #tpu.memory_space<vmem>> -> memref<64x128xf32, #tpu.memory_space<vmem>>
      tpu.wait_dma2 semaphore(%run_scoped3A : memref<!tpu.dma_semaphore, #tpu.memory_space<semaphore_mem>>) src(%dma_wait3A_118 : memref<64x128xf32, #tpu.memory_space<vmem>>) dst(%dma_wait3A_115 : memref<64x128xf32, #tpu.memory_space<vmem_shared>>)
      tpu.yield
    }) : () -> ()
    %add3A_27 = arith.constant 576 : i32
    %add3A_28 = arith.addi %mul3A_9, %add3A_27 : i32
    "tpu.region"() ({
      %run_scoped3A = tpu.sem_alloc : memref<!tpu.dma_semaphore, #tpu.memory_space<semaphore_mem>>
      %dma_start3A = arith.constant 0 : i32
      %dma_start3A_101 = arith.constant 0 : i32
      %dma_start3A_102 = tpu.memref_slice %arg9[%dma_start3A, %dma_start3A_101] : memref<64x128xf32, #tpu.memory_space<vmem>> -> memref<64x128xf32, #tpu.memory_space<vmem>>
      %dma_start3A_103 = arith.constant 0 : i32
      %dma_start3A_104 = tpu.memref_slice %arg8[%add3A_28, %dma_start3A_103] : memref<10240x128xf32, #tpu.memory_space<vmem_shared>> -> memref<64x128xf32, #tpu.memory_space<vmem_shared>>
      %dma_start3A_105 = arith.constant 0 : i32
      %dma_start3A_106 = tpu.memref_slice %arg8[%add3A_28, %dma_start3A_105] : memref<10240x128xf32, #tpu.memory_space<vmem_shared>> -> memref<64x128xf32, #tpu.memory_space<vmem_shared>>
      %dma_start3A_107 = arith.constant 0 : i32
      %dma_start3A_108 = arith.constant 0 : i32
      %dma_start3A_109 = tpu.memref_slice %arg9[%dma_start3A_107, %dma_start3A_108] : memref<64x128xf32, #tpu.memory_space<vmem>> -> memref<64x128xf32, #tpu.memory_space<vmem>>
      tpu.enqueue_dma source(%dma_start3A_109 : memref<64x128xf32, #tpu.memory_space<vmem>>) target(%dma_start3A_106 : memref<64x128xf32, #tpu.memory_space<vmem_shared>>) target_semaphore(%run_scoped3A : memref<!tpu.dma_semaphore, #tpu.memory_space<semaphore_mem>>)
      %dma_wait3A = arith.constant 0 : i32
      %dma_wait3A_110 = arith.constant 0 : i32
      %dma_wait3A_111 = tpu.memref_slice %arg9[%dma_wait3A, %dma_wait3A_110] : memref<64x128xf32, #tpu.memory_space<vmem>> -> memref<64x128xf32, #tpu.memory_space<vmem>>
      %dma_wait3A_112 = arith.constant 0 : i32
      %dma_wait3A_113 = tpu.memref_slice %arg8[%add3A_28, %dma_wait3A_112] : memref<10240x128xf32, #tpu.memory_space<vmem_shared>> -> memref<64x128xf32, #tpu.memory_space<vmem_shared>>
      %dma_wait3A_114 = arith.constant 0 : i32
      %dma_wait3A_115 = tpu.memref_slice %arg8[%add3A_28, %dma_wait3A_114] : memref<10240x128xf32, #tpu.memory_space<vmem_shared>> -> memref<64x128xf32, #tpu.memory_space<vmem_shared>>
      %dma_wait3A_116 = arith.constant 0 : i32
      %dma_wait3A_117 = arith.constant 0 : i32
      %dma_wait3A_118 = tpu.memref_slice %arg9[%dma_wait3A_116, %dma_wait3A_117] : memref<64x128xf32, #tpu.memory_space<vmem>> -> memref<64x128xf32, #tpu.memory_space<vmem>>
      tpu.wait_dma2 semaphore(%run_scoped3A : memref<!tpu.dma_semaphore, #tpu.memory_space<semaphore_mem>>) src(%dma_wait3A_118 : memref<64x128xf32, #tpu.memory_space<vmem>>) dst(%dma_wait3A_115 : memref<64x128xf32, #tpu.memory_space<vmem_shared>>)
      tpu.yield
    }) : () -> ()
    %scan3A_29 = arith.constant 0 : i32
    %scan3A_30 = arith.constant 0 : i32
    %scan3A_31 = arith.constant 1280 : i32
    %scan3A_32 = arith.addi %scan3A_30, %scan3A_31 : i32
    %scan3A_33 = arith.constant 1 : i32
    %scan3A_34 = scf.for %scan3A_101 = %scan3A_30 to %scan3A_32 step %scan3A_33 iter_args(%scan3A_102 = %scan3A_29) -> (i32)  : i32 {
      %mul3A_103 = arith.constant 16 : i32
      %mul3A_104 = arith.muli %scan3A_101, %mul3A_103 : i32
      %swap3A = arith.index_cast %mul3A_104 : i32 to index
      %swap3A_105 = tpu.vector_load %arg14[%swap3A] {strides = array<i32>} : memref<20480xf32, #tpu.memory_space<vmem>>, vector<16xf32>,
      tpu.vector_store %arg14[%swap3A], %broadcast_in_dim3A_0 {strides = array<i32>} : memref<20480xf32, #tpu.memory_space<vmem>>, vector<16xf32>,
      %scan3A_106 = arith.constant 0 : i32
      scf.yield %scan3A_106 : i32
    }
    %scan3A_35 = arith.constant 1280 : i32
    %barrier3A = arith.constant 0 : index
    tpu.barrier barrier_id(%barrier3A)
    %mul3A_36 = arith.constant 10240 : i32
    %mul3A_37 = arith.muli %arg1, %mul3A_36 : i32
    %scan3A_38 = arith.constant 0 : i32
    %scan3A_39 = arith.constant 0 : i32
    %scan3A_40 = arith.constant 160 : i32
    %scan3A_41 = arith.addi %scan3A_39, %scan3A_40 : i32
    %scan3A_42 = arith.constant 1 : i32
    %scan3A_43 = scf.for %scan3A_101 = %scan3A_39 to %scan3A_41 step %scan3A_42 iter_args(%scan3A_102 = %scan3A_38) -> (i32)  : i32 {
      %mul3A_103 = arith.constant 64 : i32
      %mul3A_104 = arith.muli %scan3A_101, %mul3A_103 : i32
      %add3A_105 = arith.addi %mul3A_37, %mul3A_104 : i32
      "tpu.region"() ({
        %run_scoped3A = tpu.sem_alloc : memref<!tpu.dma_semaphore, #tpu.memory_space<semaphore_mem>>
        %dma_start3A_223 = tpu.memref_slice %arg4[%add3A_105] : memref<163840xi32, #tpu.memory_space<hbm>> -> memref<64xi32, #tpu.memory_space<hbm>>
        %dma_start3A_224 = tpu.memref_slice %arg4[%add3A_105] : memref<163840xi32, #tpu.memory_space<hbm>> -> memref<64xi32, #tpu.memory_space<hbm>>
        tpu.enqueue_dma source(%dma_start3A_224 : memref<64xi32, #tpu.memory_space<hbm>>) target(%arg12 : memref<64xi32, #tpu.memory_space<vmem>>) target_semaphore(%run_scoped3A : memref<!tpu.dma_semaphore, #tpu.memory_space<semaphore_mem>>)
        %dma_wait3A_225 = tpu.memref_slice %arg4[%add3A_105] : memref<163840xi32, #tpu.memory_space<hbm>> -> memref<64xi32, #tpu.memory_space<hbm>>
        %dma_wait3A_226 = tpu.memref_slice %arg4[%add3A_105] : memref<163840xi32, #tpu.memory_space<hbm>> -> memref<64xi32, #tpu.memory_space<hbm>>
        tpu.wait_dma2 semaphore(%run_scoped3A : memref<!tpu.dma_semaphore, #tpu.memory_space<semaphore_mem>>) src(%dma_wait3A_226 : memref<64xi32, #tpu.memory_space<hbm>>) dst(%arg12 : memref<64xi32, #tpu.memory_space<vmem>>)
        tpu.yield
      }) : () -> ()
      "tpu.region"() ({
        %run_scoped3A = tpu.sem_alloc : memref<!tpu.dma_semaphore, #tpu.memory_space<semaphore_mem>>
        %dma_start3A_223 = tpu.memref_slice %arg5[%add3A_105] : memref<163840xi32, #tpu.memory_space<hbm>> -> memref<64xi32, #tpu.memory_space<hbm>>
        %dma_start3A_224 = tpu.memref_slice %arg5[%add3A_105] : memref<163840xi32, #tpu.memory_space<hbm>> -> memref<64xi32, #tpu.memory_space<hbm>>
        tpu.enqueue_dma source(%dma_start3A_224 : memref<64xi32, #tpu.memory_space<hbm>>) target(%arg13 : memref<64xi32, #tpu.memory_space<vmem>>) target_semaphore(%run_scoped3A : memref<!tpu.dma_semaphore, #tpu.memory_space<semaphore_mem>>)
        %dma_wait3A_225 = tpu.memref_slice %arg5[%add3A_105] : memref<163840xi32, #tpu.memory_space<hbm>> -> memref<64xi32, #tpu.memory_space<hbm>>
        %dma_wait3A_226 = tpu.memref_slice %arg5[%add3A_105] : memref<163840xi32, #tpu.memory_space<hbm>> -> memref<64xi32, #tpu.memory_space<hbm>>
        tpu.wait_dma2 semaphore(%run_scoped3A : memref<!tpu.dma_semaphore, #tpu.memory_space<semaphore_mem>>) src(%dma_wait3A_226 : memref<64xi32, #tpu.memory_space<hbm>>) dst(%arg13 : memref<64xi32, #tpu.memory_space<vmem>>)
        tpu.yield
      }) : () -> ()
      %get3A = arith.constant 0 : index
      %get3A_106 = tpu.vector_load %arg12[%get3A] {strides = array<i32>} : memref<64xi32, #tpu.memory_space<vmem>>, vector<16xi32>,
      %mul3A_107 = arith.constant 10000 : i32
      %mul3A_108 = arith.muli %arg0, %mul3A_107 : i32
      %add3A_109 = vector.broadcast %mul3A_108 : i32 to vector<16xi32>
      %add3A_110 = arith.addi %get3A_106, %add3A_109 : vector<16xi32>
      %swap3A = arith.constant 0 : index
      %swap3A_111 = tpu.vector_load %arg12[%swap3A] {strides = array<i32>} : memref<64xi32, #tpu.memory_space<vmem>>, vector<16xi32>,
      tpu.vector_store %arg12[%swap3A], %add3A_110 {strides = array<i32>} : memref<64xi32, #tpu.memory_space<vmem>>, vector<16xi32>,
      %get3A_112 = arith.constant 0 : index
      %get3A_113 = tpu.vector_load %arg13[%get3A_112] {strides = array<i32>} : memref<64xi32, #tpu.memory_space<vmem>>, vector<16xi32>,
      %mul3A_114 = arith.constant 10000 : i32
      %mul3A_115 = arith.muli %arg0, %mul3A_114 : i32
      %add3A_116 = vector.broadcast %mul3A_115 : i32 to vector<16xi32>
      %add3A_117 = arith.addi %get3A_113, %add3A_116 : vector<16xi32>
      %swap3A_118 = arith.constant 0 : index
      %swap3A_119 = tpu.vector_load %arg13[%swap3A_118] {strides = array<i32>} : memref<64xi32, #tpu.memory_space<vmem>>, vector<16xi32>,
      tpu.vector_store %arg13[%swap3A_118], %add3A_117 {strides = array<i32>} : memref<64xi32, #tpu.memory_space<vmem>>, vector<16xi32>,
      %get3A_120 = arith.constant 16 : index
      %get3A_121 = tpu.vector_load %arg12[%get3A_120] {strides = array<i32>} : memref<64xi32, #tpu.memory_space<vmem>>, vector<16xi32>,
      %mul3A_122 = arith.constant 10000 : i32
      %mul3A_123 = arith.muli %arg0, %mul3A_122 : i32
      %add3A_124 = vector.broadcast %mul3A_123 : i32 to vector<16xi32>
      %add3A_125 = arith.addi %get3A_121, %add3A_124 : vector<16xi32>
      %swap3A_126 = arith.constant 16 : index
      %swap3A_127 = tpu.vector_load %arg12[%swap3A_126] {strides = array<i32>} : memref<64xi32, #tpu.memory_space<vmem>>, vector<16xi32>,
      tpu.vector_store %arg12[%swap3A_126], %add3A_125 {strides = array<i32>} : memref<64xi32, #tpu.memory_space<vmem>>, vector<16xi32>,
      %get3A_128 = arith.constant 16 : index
      %get3A_129 = tpu.vector_load %arg13[%get3A_128] {strides = array<i32>} : memref<64xi32, #tpu.memory_space<vmem>>, vector<16xi32>,
      %mul3A_130 = arith.constant 10000 : i32
      %mul3A_131 = arith.muli %arg0, %mul3A_130 : i32
      %add3A_132 = vector.broadcast %mul3A_131 : i32 to vector<16xi32>
      %add3A_133 = arith.addi %get3A_129, %add3A_132 : vector<16xi32>
      %swap3A_134 = arith.constant 16 : index
      %swap3A_135 = tpu.vector_load %arg13[%swap3A_134] {strides = array<i32>} : memref<64xi32, #tpu.memory_space<vmem>>, vector<16xi32>,
      tpu.vector_store %arg13[%swap3A_134], %add3A_133 {strides = array<i32>} : memref<64xi32, #tpu.memory_space<vmem>>, vector<16xi32>,
      %get3A_136 = arith.constant 32 : index
      %get3A_137 = tpu.vector_load %arg12[%get3A_136] {strides = array<i32>} : memref<64xi32, #tpu.memory_space<vmem>>, vector<16xi32>,
      %mul3A_138 = arith.constant 10000 : i32
      %mul3A_139 = arith.muli %arg0, %mul3A_138 : i32
      %add3A_140 = vector.broadcast %mul3A_139 : i32 to vector<16xi32>
      %add3A_141 = arith.addi %get3A_137, %add3A_140 : vector<16xi32>
      %swap3A_142 = arith.constant 32 : index
      %swap3A_143 = tpu.vector_load %arg12[%swap3A_142] {strides = array<i32>} : memref<64xi32, #tpu.memory_space<vmem>>, vector<16xi32>,
      tpu.vector_store %arg12[%swap3A_142], %add3A_141 {strides = array<i32>} : memref<64xi32, #tpu.memory_space<vmem>>, vector<16xi32>,
      %get3A_144 = arith.constant 32 : index
      %get3A_145 = tpu.vector_load %arg13[%get3A_144] {strides = array<i32>} : memref<64xi32, #tpu.memory_space<vmem>>, vector<16xi32>,
      %mul3A_146 = arith.constant 10000 : i32
      %mul3A_147 = arith.muli %arg0, %mul3A_146 : i32
      %add3A_148 = vector.broadcast %mul3A_147 : i32 to vector<16xi32>
      %add3A_149 = arith.addi %get3A_145, %add3A_148 : vector<16xi32>
      %swap3A_150 = arith.constant 32 : index
      %swap3A_151 = tpu.vector_load %arg13[%swap3A_150] {strides = array<i32>} : memref<64xi32, #tpu.memory_space<vmem>>, vector<16xi32>,
      tpu.vector_store %arg13[%swap3A_150], %add3A_149 {strides = array<i32>} : memref<64xi32, #tpu.memory_space<vmem>>, vector<16xi32>,
      %get3A_152 = arith.constant 48 : index
      %get3A_153 = tpu.vector_load %arg12[%get3A_152] {strides = array<i32>} : memref<64xi32, #tpu.memory_space<vmem>>, vector<16xi32>,
      %mul3A_154 = arith.constant 10000 : i32
      %mul3A_155 = arith.muli %arg0, %mul3A_154 : i32
      %add3A_156 = vector.broadcast %mul3A_155 : i32 to vector<16xi32>
      %add3A_157 = arith.addi %get3A_153, %add3A_156 : vector<16xi32>
      %swap3A_158 = arith.constant 48 : index
      %swap3A_159 = tpu.vector_load %arg12[%swap3A_158] {strides = array<i32>} : memref<64xi32, #tpu.memory_space<vmem>>, vector<16xi32>,
      tpu.vector_store %arg12[%swap3A_158], %add3A_157 {strides = array<i32>} : memref<64xi32, #tpu.memory_space<vmem>>, vector<16xi32>,
      %get3A_160 = arith.constant 48 : index
      %get3A_161 = tpu.vector_load %arg13[%get3A_160] {strides = array<i32>} : memref<64xi32, #tpu.memory_space<vmem>>, vector<16xi32>,
      %mul3A_162 = arith.constant 10000 : i32
      %mul3A_163 = arith.muli %arg0, %mul3A_162 : i32
      %add3A_164 = vector.broadcast %mul3A_163 : i32 to vector<16xi32>
      %add3A_165 = arith.addi %get3A_161, %add3A_164 : vector<16xi32>
      %swap3A_166 = arith.constant 48 : index
      %swap3A_167 = tpu.vector_load %arg13[%swap3A_166] {strides = array<i32>} : memref<64xi32, #tpu.memory_space<vmem>>, vector<16xi32>,
      tpu.vector_store %arg13[%swap3A_166], %add3A_165 {strides = array<i32>} : memref<64xi32, #tpu.memory_space<vmem>>, vector<16xi32>,
      %dma_start3A = arith.constant 0 : i32
      %dma_start3A_168 = arith.constant 0 : i32
      %dma_start3A_169 = tpu.memref_slice %arg3[%dma_start3A, %dma_start3A_168] : memref<20000x128xf32, #tpu.memory_space<hbm>> -> memref<20000x128xf32, #tpu.memory_space<hbm>>
      tpu.enqueue_indirect_dma source(%dma_start3A_169 : memref<20000x128xf32, #tpu.memory_space<hbm>>) target(%arg10 : memref<64x128xf32, #tpu.memory_space<vmem>>) offsets(%arg12 : memref<64xi32, #tpu.memory_space<vmem>>) semaphore(%arg15 : memref<!tpu.dma_semaphore, #tpu.memory_space<semaphore_mem>>)
      %dma_start3A_170 = arith.constant 0 : i32
      %dma_start3A_171 = arith.constant 0 : i32
      %dma_start3A_172 = tpu.memref_slice %arg3[%dma_start3A_170, %dma_start3A_171] : memref<20000x128xf32, #tpu.memory_space<hbm>> -> memref<20000x128xf32, #tpu.memory_space<hbm>>
      tpu.enqueue_indirect_dma source(%dma_start3A_172 : memref<20000x128xf32, #tpu.memory_space<hbm>>) target(%arg11 : memref<64x128xf32, #tpu.memory_space<vmem>>) offsets(%arg13 : memref<64xi32, #tpu.memory_space<vmem>>) semaphore(%arg15 : memref<!tpu.dma_semaphore, #tpu.memory_space<semaphore_mem>>)
      %dma_start3A_173 = arith.constant 0 : i32
      %dma_start3A_174 = arith.constant 0 : i32
      %dma_start3A_175 = tpu.memref_slice %arg2[%dma_start3A_173, %dma_start3A_174] : memref<20000x128xf32, #tpu.memory_space<hbm>> -> memref<20000x128xf32, #tpu.memory_space<hbm>>
      tpu.enqueue_indirect_dma source(%dma_start3A_175 : memref<20000x128xf32, #tpu.memory_space<hbm>>) target(%arg9 : memref<64x128xf32, #tpu.memory_space<vmem>>) offsets(%arg12 : memref<64xi32, #tpu.memory_space<vmem>>) semaphore(%arg15 : memref<!tpu.dma_semaphore, #tpu.memory_space<semaphore_mem>>)
      %dma_wait3A = arith.constant 0 : i32
      %dma_wait3A_176 = arith.constant 0 : i32
      %dma_wait3A_177 = tpu.memref_slice %arg3[%dma_wait3A, %dma_wait3A_176] : memref<20000x128xf32, #tpu.memory_space<hbm>> -> memref<20000x128xf32, #tpu.memory_space<hbm>>
      tpu.wait_indirect_dma semaphore(%arg15 : memref<!tpu.dma_semaphore, #tpu.memory_space<semaphore_mem>>) src(%dma_wait3A_177 : memref<20000x128xf32, #tpu.memory_space<hbm>>) dst(%arg10 : memref<64x128xf32, #tpu.memory_space<vmem>>)
      %dma_wait3A_178 = arith.constant 0 : i32
      %dma_wait3A_179 = arith.constant 0 : i32
      %dma_wait3A_180 = tpu.memref_slice %arg3[%dma_wait3A_178, %dma_wait3A_179] : memref<20000x128xf32, #tpu.memory_space<hbm>> -> memref<20000x128xf32, #tpu.memory_space<hbm>>
      tpu.wait_indirect_dma semaphore(%arg15 : memref<!tpu.dma_semaphore, #tpu.memory_space<semaphore_mem>>) src(%dma_wait3A_180 : memref<20000x128xf32, #tpu.memory_space<hbm>>) dst(%arg11 : memref<64x128xf32, #tpu.memory_space<vmem>>)
      %dma_wait3A_181 = arith.constant 0 : i32
      %dma_wait3A_182 = arith.constant 0 : i32
      %dma_wait3A_183 = tpu.memref_slice %arg2[%dma_wait3A_181, %dma_wait3A_182] : memref<20000x128xf32, #tpu.memory_space<hbm>> -> memref<20000x128xf32, #tpu.memory_space<hbm>>
      tpu.wait_indirect_dma semaphore(%arg15 : memref<!tpu.dma_semaphore, #tpu.memory_space<semaphore_mem>>) src(%dma_wait3A_183 : memref<20000x128xf32, #tpu.memory_space<hbm>>) dst(%arg9 : memref<64x128xf32, #tpu.memory_space<vmem>>)
      %get3A_184 = arith.constant 0 : index
      %get3A_185 = tpu.vector_load %arg13[%get3A_184] {strides = array<i32>} : memref<64xi32, #tpu.memory_space<vmem>>, vector<16xi32>,
      %mul3A_186 = arith.constant 10000 : i32
      %mul3A_187 = arith.muli %arg0, %mul3A_186 : i32
      %sub3A = vector.broadcast %mul3A_187 : i32 to vector<16xi32>
      %sub3A_188 = arith.subi %get3A_185, %sub3A : vector<16xi32>
      %swap3A_189 = arith.constant 0 : index
      %swap3A_190 = tpu.vector_load %arg13[%swap3A_189] {strides = array<i32>} : memref<64xi32, #tpu.memory_space<vmem>>, vector<16xi32>,
      tpu.vector_store %arg13[%swap3A_189], %sub3A_188 {strides = array<i32>} : memref<64xi32, #tpu.memory_space<vmem>>, vector<16xi32>,
      %get3A_191 = arith.constant 16 : index
      %get3A_192 = tpu.vector_load %arg13[%get3A_191] {strides = array<i32>} : memref<64xi32, #tpu.memory_space<vmem>>, vector<16xi32>,
      %mul3A_193 = arith.constant 10000 : i32
      %mul3A_194 = arith.muli %arg0, %mul3A_193 : i32
      %sub3A_195 = vector.broadcast %mul3A_194 : i32 to vector<16xi32>
      %sub3A_196 = arith.subi %get3A_192, %sub3A_195 : vector<16xi32>
      %swap3A_197 = arith.constant 16 : index
      %swap3A_198 = tpu.vector_load %arg13[%swap3A_197] {strides = array<i32>} : memref<64xi32, #tpu.memory_space<vmem>>, vector<16xi32>,
      tpu.vector_store %arg13[%swap3A_197], %sub3A_196 {strides = array<i32>} : memref<64xi32, #tpu.memory_space<vmem>>, vector<16xi32>,
      %get3A_199 = arith.constant 32 : index
      %get3A_200 = tpu.vector_load %arg13[%get3A_199] {strides = array<i32>} : memref<64xi32, #tpu.memory_space<vmem>>, vector<16xi32>,
      %mul3A_201 = arith.constant 10000 : i32
      %mul3A_202 = arith.muli %arg0, %mul3A_201 : i32
      %sub3A_203 = vector.broadcast %mul3A_202 : i32 to vector<16xi32>
      %sub3A_204 = arith.subi %get3A_200, %sub3A_203 : vector<16xi32>
      %swap3A_205 = arith.constant 32 : index
      %swap3A_206 = tpu.vector_load %arg13[%swap3A_205] {strides = array<i32>} : memref<64xi32, #tpu.memory_space<vmem>>, vector<16xi32>,
      tpu.vector_store %arg13[%swap3A_205], %sub3A_204 {strides = array<i32>} : memref<64xi32, #tpu.memory_space<vmem>>, vector<16xi32>,
      %get3A_207 = arith.constant 48 : index
      %get3A_208 = tpu.vector_load %arg13[%get3A_207] {strides = array<i32>} : memref<64xi32, #tpu.memory_space<vmem>>, vector<16xi32>,
      %mul3A_209 = arith.constant 10000 : i32
      %mul3A_210 = arith.muli %arg0, %mul3A_209 : i32
      %sub3A_211 = vector.broadcast %mul3A_210 : i32 to vector<16xi32>
      %sub3A_212 = arith.subi %get3A_208, %sub3A_211 : vector<16xi32>
      %swap3A_213 = arith.constant 48 : index
      %swap3A_214 = tpu.vector_load %arg13[%swap3A_213] {strides = array<i32>} : memref<64xi32, #tpu.memory_space<vmem>>, vector<16xi32>,
      tpu.vector_store %arg13[%swap3A_213], %sub3A_212 {strides = array<i32>} : memref<64xi32, #tpu.memory_space<vmem>>, vector<16xi32>,
      %scan3A_215 = arith.constant 0 : i32
      %scan3A_216 = arith.constant 0 : i32
      %scan3A_217 = arith.constant 64 : i32
      %scan3A_218 = arith.addi %scan3A_216, %scan3A_217 : i32
      %scan3A_219 = arith.constant 1 : i32
      %scan3A_220 = scf.for %scan3A_223 = %scan3A_216 to %scan3A_218 step %scan3A_219 iter_args(%scan3A_224 = %scan3A_215) -> (i32)  : i32 {
        %get3A_225 = arith.index_cast %scan3A_223 : i32 to index
        %get3A_226 = arith.constant 0 : index
        %get3A_227 = tpu.vector_load %arg10[%get3A_225, %get3A_226] {strides = array<i32>} : memref<64x128xf32, #tpu.memory_space<vmem>>, vector<16xf32>,
        %get3A_228 = arith.index_cast %scan3A_223 : i32 to index
        %get3A_229 = arith.constant 0 : index
        %get3A_230 = tpu.vector_load %arg11[%get3A_228, %get3A_229] {strides = array<i32>} : memref<64x128xf32, #tpu.memory_space<vmem>>, vector<16xf32>,
        %slice3A = vector.extract_strided_slice %get3A_227 {offsets = [0], sizes = [1], strides = [1]} : vector<16xf32> to vector<1xf32>
        %squeeze3A = vector.extract %slice3A[0] : f32 from vector<1xf32>
        %broadcast_in_dim3A_231 = vector.broadcast %squeeze3A : f32 to vector<16xf32>
        %slice3A_232 = vector.extract_strided_slice %get3A_230 {offsets = [2], sizes = [1], strides = [1]} : vector<16xf32> to vector<1xf32>
        %squeeze3A_233 = vector.extract %slice3A_232[0] : f32 from vector<1xf32>
        %broadcast_in_dim3A_234 = vector.broadcast %squeeze3A_233 : f32 to vector<16xf32>
        %add3A_235 = arith.addf %broadcast_in_dim3A_231, %broadcast_in_dim3A_234 : vector<16xf32>
        %slice3A_236 = vector.extract_strided_slice %get3A_227 {offsets = [1], sizes = [1], strides = [1]} : vector<16xf32> to vector<1xf32>
        %squeeze3A_237 = vector.extract %slice3A_236[0] : f32 from vector<1xf32>
        %broadcast_in_dim3A_238 = vector.broadcast %squeeze3A_237 : f32 to vector<16xf32>
        %slice3A_239 = vector.extract_strided_slice %get3A_230 {offsets = [3], sizes = [1], strides = [1]} : vector<16xf32> to vector<1xf32>
        %squeeze3A_240 = vector.extract %slice3A_239[0] : f32 from vector<1xf32>
        %broadcast_in_dim3A_241 = vector.broadcast %squeeze3A_240 : f32 to vector<16xf32>
        %add3A_242 = arith.addf %broadcast_in_dim3A_238, %broadcast_in_dim3A_241 : vector<16xf32>
        %ge3A = arith.constant 0.000000e+00 : f32
        %ge3A_243 = vector.broadcast %ge3A : f32 to vector<16xf32>
        %ge3A_244 = arith.cmpf oge, %add3A_235, %ge3A_243 : vector<16xf32>
        %mul3A_245 = arith.constant 2.000000e-01 : f32
        %mul3A_246 = vector.broadcast %mul3A_245 : f32 to vector<16xf32>
        %mul3A_247 = arith.mulf %mul3A_246, %add3A_235 : vector<16xf32>
        %select_n3A = arith.select %ge3A_244, %add3A_235, %mul3A_247 : vector<16xi1>, vector<16xf32>
        %ge3A_248 = arith.constant 0.000000e+00 : f32
        %ge3A_249 = vector.broadcast %ge3A_248 : f32 to vector<16xf32>
        %ge3A_250 = arith.cmpf oge, %add3A_242, %ge3A_249 : vector<16xf32>
        %mul3A_251 = arith.constant 2.000000e-01 : f32
        %mul3A_252 = vector.broadcast %mul3A_251 : f32 to vector<16xf32>
        %mul3A_253 = arith.mulf %mul3A_252, %add3A_242 : vector<16xf32>
        %select_n3A_254 = arith.select %ge3A_250, %add3A_242, %mul3A_253 : vector<16xi1>, vector<16xf32>
        %add3A_255 = arith.addi %add3A_105, %scan3A_223 : i32
        %broadcast_in_dim3A_256 = vector.broadcast %add3A_255 : i32 to vector<16xi32>
        %lt3A = arith.constant 160000 : i32
        %lt3A_257 = vector.broadcast %lt3A : i32 to vector<16xi32>
        %lt3A_258 = arith.cmpi slt, %broadcast_in_dim3A_256, %lt3A_257 : vector<16xi32>
        %exp3A = math.exp %select_n3A : vector<16xf32>
        %select_n3A_259 = arith.select %lt3A_258, %exp3A, %broadcast_in_dim3A_0 : vector<16xi1>, vector<16xf32>
        %exp3A_260 = math.exp %select_n3A_254 : vector<16xf32>
        %select_n3A_261 = arith.select %lt3A_258, %exp3A_260, %broadcast_in_dim3A_0 : vector<16xi1>, vector<16xf32>
        %get3A_262 = arith.index_cast %scan3A_223 : i32 to index
        %get3A_263 = arith.constant 0 : index
        %get3A_264 = tpu.vector_load %arg9[%get3A_262, %get3A_263] {strides = array<i32>} : memref<64x128xf32, #tpu.memory_space<vmem>>, vector<16xf32>,
        %mul3A_265 = arith.mulf %get3A_264, %select_n3A_259 : vector<16xf32>
        %swap3A_266 = arith.index_cast %scan3A_223 : i32 to index
        %swap3A_267 = arith.constant 0 : index
        %swap3A_268 = tpu.vector_load %arg9[%swap3A_266, %swap3A_267] {strides = array<i32>} : memref<64x128xf32, #tpu.memory_space<vmem>>, vector<16xf32>,
        tpu.vector_store %arg9[%swap3A_266, %swap3A_267], %mul3A_265 {strides = array<i32>} : memref<64x128xf32, #tpu.memory_space<vmem>>, vector<16xf32>,
        %get3A_269 = arith.index_cast %scan3A_223 : i32 to index
        %get3A_270 = arith.constant 16 : index
        %get3A_271 = tpu.vector_load %arg9[%get3A_269, %get3A_270] {strides = array<i32>} : memref<64x128xf32, #tpu.memory_space<vmem>>, vector<16xf32>,
        %mul3A_272 = arith.mulf %get3A_271, %select_n3A_259 : vector<16xf32>
        %swap3A_273 = arith.index_cast %scan3A_223 : i32 to index
        %swap3A_274 = arith.constant 16 : index
        %swap3A_275 = tpu.vector_load %arg9[%swap3A_273, %swap3A_274] {strides = array<i32>} : memref<64x128xf32, #tpu.memory_space<vmem>>, vector<16xf32>,
        tpu.vector_store %arg9[%swap3A_273, %swap3A_274], %mul3A_272 {strides = array<i32>} : memref<64x128xf32, #tpu.memory_space<vmem>>, vector<16xf32>,
        %get3A_276 = arith.index_cast %scan3A_223 : i32 to index
        %get3A_277 = arith.constant 32 : index
        %get3A_278 = tpu.vector_load %arg9[%get3A_276, %get3A_277] {strides = array<i32>} : memref<64x128xf32, #tpu.memory_space<vmem>>, vector<16xf32>,
        %mul3A_279 = arith.mulf %get3A_278, %select_n3A_259 : vector<16xf32>
        %swap3A_280 = arith.index_cast %scan3A_223 : i32 to index
        %swap3A_281 = arith.constant 32 : index
        %swap3A_282 = tpu.vector_load %arg9[%swap3A_280, %swap3A_281] {strides = array<i32>} : memref<64x128xf32, #tpu.memory_space<vmem>>, vector<16xf32>,
        tpu.vector_store %arg9[%swap3A_280, %swap3A_281], %mul3A_279 {strides = array<i32>} : memref<64x128xf32, #tpu.memory_space<vmem>>, vector<16xf32>,
        %get3A_283 = arith.index_cast %scan3A_223 : i32 to index
        %get3A_284 = arith.constant 48 : index
        %get3A_285 = tpu.vector_load %arg9[%get3A_283, %get3A_284] {strides = array<i32>} : memref<64x128xf32, #tpu.memory_space<vmem>>, vector<16xf32>,
        %mul3A_286 = arith.mulf %get3A_285, %select_n3A_259 : vector<16xf32>
        %swap3A_287 = arith.index_cast %scan3A_223 : i32 to index
        %swap3A_288 = arith.constant 48 : index
        %swap3A_289 = tpu.vector_load %arg9[%swap3A_287, %swap3A_288] {strides = array<i32>} : memref<64x128xf32, #tpu.memory_space<vmem>>, vector<16xf32>,
        tpu.vector_store %arg9[%swap3A_287, %swap3A_288], %mul3A_286 {strides = array<i32>} : memref<64x128xf32, #tpu.memory_space<vmem>>, vector<16xf32>,
        %get3A_290 = arith.index_cast %scan3A_223 : i32 to index
        %get3A_291 = arith.constant 64 : index
        %get3A_292 = tpu.vector_load %arg9[%get3A_290, %get3A_291] {strides = array<i32>} : memref<64x128xf32, #tpu.memory_space<vmem>>, vector<16xf32>,
        %mul3A_293 = arith.mulf %get3A_292, %select_n3A_261 : vector<16xf32>
        %swap3A_294 = arith.index_cast %scan3A_223 : i32 to index
        %swap3A_295 = arith.constant 64 : index
        %swap3A_296 = tpu.vector_load %arg9[%swap3A_294, %swap3A_295] {strides = array<i32>} : memref<64x128xf32, #tpu.memory_space<vmem>>, vector<16xf32>,
        tpu.vector_store %arg9[%swap3A_294, %swap3A_295], %mul3A_293 {strides = array<i32>} : memref<64x128xf32, #tpu.memory_space<vmem>>, vector<16xf32>,
        %get3A_297 = arith.index_cast %scan3A_223 : i32 to index
        %get3A_298 = arith.constant 80 : index
        %get3A_299 = tpu.vector_load %arg9[%get3A_297, %get3A_298] {strides = array<i32>} : memref<64x128xf32, #tpu.memory_space<vmem>>, vector<16xf32>,
        %mul3A_300 = arith.mulf %get3A_299, %select_n3A_261 : vector<16xf32>
        %swap3A_301 = arith.index_cast %scan3A_223 : i32 to index
        %swap3A_302 = arith.constant 80 : index
        %swap3A_303 = tpu.vector_load %arg9[%swap3A_301, %swap3A_302] {strides = array<i32>} : memref<64x128xf32, #tpu.memory_space<vmem>>, vector<16xf32>,
        tpu.vector_store %arg9[%swap3A_301, %swap3A_302], %mul3A_300 {strides = array<i32>} : memref<64x128xf32, #tpu.memory_space<vmem>>, vector<16xf32>,
        %get3A_304 = arith.index_cast %scan3A_223 : i32 to index
        %get3A_305 = arith.constant 96 : index
        %get3A_306 = tpu.vector_load %arg9[%get3A_304, %get3A_305] {strides = array<i32>} : memref<64x128xf32, #tpu.memory_space<vmem>>, vector<16xf32>,
        %mul3A_307 = arith.mulf %get3A_306, %select_n3A_261 : vector<16xf32>
        %swap3A_308 = arith.index_cast %scan3A_223 : i32 to index
        %swap3A_309 = arith.constant 96 : index
        %swap3A_310 = tpu.vector_load %arg9[%swap3A_308, %swap3A_309] {strides = array<i32>} : memref<64x128xf32, #tpu.memory_space<vmem>>, vector<16xf32>,
        tpu.vector_store %arg9[%swap3A_308, %swap3A_309], %mul3A_307 {strides = array<i32>} : memref<64x128xf32, #tpu.memory_space<vmem>>, vector<16xf32>,
        %get3A_311 = arith.index_cast %scan3A_223 : i32 to index
        %get3A_312 = arith.constant 112 : index
        %get3A_313 = tpu.vector_load %arg9[%get3A_311, %get3A_312] {strides = array<i32>} : memref<64x128xf32, #tpu.memory_space<vmem>>, vector<16xf32>,
        %mul3A_314 = arith.mulf %get3A_313, %select_n3A_261 : vector<16xf32>
        %swap3A_315 = arith.index_cast %scan3A_223 : i32 to index
        %swap3A_316 = arith.constant 112 : index
        %swap3A_317 = tpu.vector_load %arg9[%swap3A_315, %swap3A_316] {strides = array<i32>} : memref<64x128xf32, #tpu.memory_space<vmem>>, vector<16xf32>,
        tpu.vector_store %arg9[%swap3A_315, %swap3A_316], %mul3A_314 {strides = array<i32>} : memref<64x128xf32, #tpu.memory_space<vmem>>, vector<16xf32>,
        %get3A_318 = arith.index_cast %scan3A_223 : i32 to index
        %get3A_319 = tpu.vector_load %arg13[%get3A_318] {strides = array<i32>} : memref<64xi32, #tpu.memory_space<vmem>>, vector<16xi32>,
        %slice3A_320 = vector.extract_strided_slice %get3A_319 {offsets = [0], sizes = [1], strides = [1]} : vector<16xi32> to vector<1xi32>
        %squeeze3A_321 = vector.extract %slice3A_320[0] : i32 from vector<1xi32>
        %mul3A_322 = arith.constant 2 : i32
        %mul3A_323 = arith.muli %squeeze3A_321, %mul3A_322 : i32
        %broadcast_in_dim3A_324 = vector.broadcast %mul3A_323 : i32 to vector<16xi32>
        tpu.vector_store_idx %arg14[%broadcast_in_dim3A_324], %select_n3A_259 masked %eq3A_2 {add = true} : memref<20480xf32, #tpu.memory_space<vmem>>[vector<16xi32>], vector<16xf32>, vector<16xi1>
        %add3A_325 = arith.constant 1 : i32
        %add3A_326 = arith.addi %mul3A_323, %add3A_325 : i32
        %broadcast_in_dim3A_327 = vector.broadcast %add3A_326 : i32 to vector<16xi32>
        tpu.vector_store_idx %arg14[%broadcast_in_dim3A_327], %select_n3A_261 masked %eq3A_2 {add = true} : memref<20480xf32, #tpu.memory_space<vmem>>[vector<16xi32>], vector<16xf32>, vector<16xi1>
        %scan3A_328 = arith.constant 0 : i32
        scf.yield %scan3A_328 : i32
      }
      %scan3A_221 = arith.constant 64 : i32
      "tpu.region"() ({
        %run_scoped3A = tpu.sem_alloc : memref<!tpu.dma_semaphore, #tpu.memory_space<semaphore_mem>>
        %dma_start3A_223 = arith.constant 0 : i32
        %dma_start3A_224 = arith.constant 0 : i32
        %dma_start3A_225 = tpu.memref_slice %arg8[%dma_start3A_223, %dma_start3A_224] : memref<10240x128xf32, #tpu.memory_space<vmem_shared>> -> memref<10240x128xf32, #tpu.memory_space<vmem_shared>>
        tpu.enqueue_indirect_dma source(%arg9 : memref<64x128xf32, #tpu.memory_space<vmem>>) target(%dma_start3A_225 : memref<10240x128xf32, #tpu.memory_space<vmem_shared>>) offsets(%arg13 : memref<64xi32, #tpu.memory_space<vmem>>) semaphore(%run_scoped3A : memref<!tpu.dma_semaphore, #tpu.memory_space<semaphore_mem>>) {add = true}
        %dma_wait3A_226 = arith.constant 0 : i32
        %dma_wait3A_227 = arith.constant 0 : i32
        %dma_wait3A_228 = tpu.memref_slice %arg8[%dma_wait3A_226, %dma_wait3A_227] : memref<10240x128xf32, #tpu.memory_space<vmem_shared>> -> memref<10240x128xf32, #tpu.memory_space<vmem_shared>>
        tpu.wait_indirect_dma semaphore(%run_scoped3A : memref<!tpu.dma_semaphore, #tpu.memory_space<semaphore_mem>>) src(%arg9 : memref<64x128xf32, #tpu.memory_space<vmem>>) dst(%dma_wait3A_228 : memref<10240x128xf32, #tpu.memory_space<vmem_shared>>)
        tpu.yield
      }) : () -> ()
      %scan3A_222 = arith.constant 0 : i32
      scf.yield %scan3A_222 : i32
    }
    %scan3A_44 = arith.constant 160 : i32
    %barrier3A_45 = arith.constant 0 : index
    tpu.barrier barrier_id(%barrier3A_45)
    %add3A_46 = arith.constant 0 : i32
    %add3A_47 = arith.addi %mul3A_9, %add3A_46 : i32
    "tpu.region"() ({
      %run_scoped3A = tpu.sem_alloc : memref<!tpu.dma_semaphore, #tpu.memory_space<semaphore_mem>>
      %dma_start3A = arith.constant 0 : i32
      %dma_start3A_101 = arith.constant 0 : i32
      %dma_start3A_102 = tpu.memref_slice %arg9[%dma_start3A, %dma_start3A_101] : memref<64x128xf32, #tpu.memory_space<vmem>> -> memref<64x128xf32, #tpu.memory_space<vmem>>
      %dma_start3A_103 = arith.constant 0 : i32
      %dma_start3A_104 = tpu.memref_slice %arg8[%add3A_47, %dma_start3A_103] : memref<10240x128xf32, #tpu.memory_space<vmem_shared>> -> memref<64x128xf32, #tpu.memory_space<vmem_shared>>
      %dma_start3A_105 = arith.constant 0 : i32
      %dma_start3A_106 = arith.constant 0 : i32
      %dma_start3A_107 = tpu.memref_slice %arg9[%dma_start3A_105, %dma_start3A_106] : memref<64x128xf32, #tpu.memory_space<vmem>> -> memref<64x128xf32, #tpu.memory_space<vmem>>
      %dma_start3A_108 = arith.constant 0 : i32
      %dma_start3A_109 = tpu.memref_slice %arg8[%add3A_47, %dma_start3A_108] : memref<10240x128xf32, #tpu.memory_space<vmem_shared>> -> memref<64x128xf32, #tpu.memory_space<vmem_shared>>
      tpu.enqueue_dma source(%dma_start3A_109 : memref<64x128xf32, #tpu.memory_space<vmem_shared>>) target(%dma_start3A_107 : memref<64x128xf32, #tpu.memory_space<vmem>>) target_semaphore(%run_scoped3A : memref<!tpu.dma_semaphore, #tpu.memory_space<semaphore_mem>>)
      %dma_wait3A = arith.constant 0 : i32
      %dma_wait3A_110 = arith.constant 0 : i32
      %dma_wait3A_111 = tpu.memref_slice %arg9[%dma_wait3A, %dma_wait3A_110] : memref<64x128xf32, #tpu.memory_space<vmem>> -> memref<64x128xf32, #tpu.memory_space<vmem>>
      %dma_wait3A_112 = arith.constant 0 : i32
      %dma_wait3A_113 = tpu.memref_slice %arg8[%add3A_47, %dma_wait3A_112] : memref<10240x128xf32, #tpu.memory_space<vmem_shared>> -> memref<64x128xf32, #tpu.memory_space<vmem_shared>>
      %dma_wait3A_114 = arith.constant 0 : i32
      %dma_wait3A_115 = arith.constant 0 : i32
      %dma_wait3A_116 = tpu.memref_slice %arg9[%dma_wait3A_114, %dma_wait3A_115] : memref<64x128xf32, #tpu.memory_space<vmem>> -> memref<64x128xf32, #tpu.memory_space<vmem>>
      %dma_wait3A_117 = arith.constant 0 : i32
      %dma_wait3A_118 = tpu.memref_slice %arg8[%add3A_47, %dma_wait3A_117] : memref<10240x128xf32, #tpu.memory_space<vmem_shared>> -> memref<64x128xf32, #tpu.memory_space<vmem_shared>>
      tpu.wait_dma2 semaphore(%run_scoped3A : memref<!tpu.dma_semaphore, #tpu.memory_space<semaphore_mem>>) src(%dma_wait3A_118 : memref<64x128xf32, #tpu.memory_space<vmem_shared>>) dst(%dma_wait3A_116 : memref<64x128xf32, #tpu.memory_space<vmem>>)
      tpu.yield
    }) : () -> ()
    %mul3A_48 = arith.constant 10240 : i32
    %mul3A_49 = arith.muli %arg0, %mul3A_48 : i32
    %add3A_50 = arith.addi %mul3A_49, %add3A_47 : i32
    "tpu.region"() ({
      %run_scoped3A = tpu.sem_alloc : memref<!tpu.dma_semaphore, #tpu.memory_space<semaphore_mem>>
      %dma_start3A = arith.constant 0 : i32
      %dma_start3A_101 = arith.constant 0 : i32
      %dma_start3A_102 = tpu.memref_slice %arg9[%dma_start3A, %dma_start3A_101] : memref<64x128xf32, #tpu.memory_space<vmem>> -> memref<64x128xf32, #tpu.memory_space<vmem>>
      %dma_start3A_103 = arith.constant 0 : i32
      %dma_start3A_104 = tpu.memref_slice %arg6[%add3A_50, %dma_start3A_103] : memref<20480x128xf32, #tpu.memory_space<hbm>> -> memref<64x128xf32, #tpu.memory_space<hbm>>
      %dma_start3A_105 = arith.constant 0 : i32
      %dma_start3A_106 = tpu.memref_slice %arg6[%add3A_50, %dma_start3A_105] : memref<20480x128xf32, #tpu.memory_space<hbm>> -> memref<64x128xf32, #tpu.memory_space<hbm>>
      %dma_start3A_107 = arith.constant 0 : i32
      %dma_start3A_108 = arith.constant 0 : i32
      %dma_start3A_109 = tpu.memref_slice %arg9[%dma_start3A_107, %dma_start3A_108] : memref<64x128xf32, #tpu.memory_space<vmem>> -> memref<64x128xf32, #tpu.memory_space<vmem>>
      tpu.enqueue_dma source(%dma_start3A_109 : memref<64x128xf32, #tpu.memory_space<vmem>>) target(%dma_start3A_106 : memref<64x128xf32, #tpu.memory_space<hbm>>) target_semaphore(%run_scoped3A : memref<!tpu.dma_semaphore, #tpu.memory_space<semaphore_mem>>)
      %dma_wait3A = arith.constant 0 : i32
      %dma_wait3A_110 = arith.constant 0 : i32
      %dma_wait3A_111 = tpu.memref_slice %arg9[%dma_wait3A, %dma_wait3A_110] : memref<64x128xf32, #tpu.memory_space<vmem>> -> memref<64x128xf32, #tpu.memory_space<vmem>>
      %dma_wait3A_112 = arith.constant 0 : i32
      %dma_wait3A_113 = tpu.memref_slice %arg6[%add3A_50, %dma_wait3A_112] : memref<20480x128xf32, #tpu.memory_space<hbm>> -> memref<64x128xf32, #tpu.memory_space<hbm>>
      %dma_wait3A_114 = arith.constant 0 : i32
      %dma_wait3A_115 = tpu.memref_slice %arg6[%add3A_50, %dma_wait3A_114] : memref<20480x128xf32, #tpu.memory_space<hbm>> -> memref<64x128xf32, #tpu.memory_space<hbm>>
      %dma_wait3A_116 = arith.constant 0 : i32
      %dma_wait3A_117 = arith.constant 0 : i32
      %dma_wait3A_118 = tpu.memref_slice %arg9[%dma_wait3A_116, %dma_wait3A_117] : memref<64x128xf32, #tpu.memory_space<vmem>> -> memref<64x128xf32, #tpu.memory_space<vmem>>
      tpu.wait_dma2 semaphore(%run_scoped3A : memref<!tpu.dma_semaphore, #tpu.memory_space<semaphore_mem>>) src(%dma_wait3A_118 : memref<64x128xf32, #tpu.memory_space<vmem>>) dst(%dma_wait3A_115 : memref<64x128xf32, #tpu.memory_space<hbm>>)
      tpu.yield
    }) : () -> ()
    %add3A_51 = arith.constant 64 : i32
    %add3A_52 = arith.addi %mul3A_9, %add3A_51 : i32
    "tpu.region"() ({
      %run_scoped3A = tpu.sem_alloc : memref<!tpu.dma_semaphore, #tpu.memory_space<semaphore_mem>>
      %dma_start3A = arith.constant 0 : i32
      %dma_start3A_101 = arith.constant 0 : i32
      %dma_start3A_102 = tpu.memref_slice %arg9[%dma_start3A, %dma_start3A_101] : memref<64x128xf32, #tpu.memory_space<vmem>> -> memref<64x128xf32, #tpu.memory_space<vmem>>
      %dma_start3A_103 = arith.constant 0 : i32
      %dma_start3A_104 = tpu.memref_slice %arg8[%add3A_52, %dma_start3A_103] : memref<10240x128xf32, #tpu.memory_space<vmem_shared>> -> memref<64x128xf32, #tpu.memory_space<vmem_shared>>
      %dma_start3A_105 = arith.constant 0 : i32
      %dma_start3A_106 = arith.constant 0 : i32
      %dma_start3A_107 = tpu.memref_slice %arg9[%dma_start3A_105, %dma_start3A_106] : memref<64x128xf32, #tpu.memory_space<vmem>> -> memref<64x128xf32, #tpu.memory_space<vmem>>
      %dma_start3A_108 = arith.constant 0 : i32
      %dma_start3A_109 = tpu.memref_slice %arg8[%add3A_52, %dma_start3A_108] : memref<10240x128xf32, #tpu.memory_space<vmem_shared>> -> memref<64x128xf32, #tpu.memory_space<vmem_shared>>
      tpu.enqueue_dma source(%dma_start3A_109 : memref<64x128xf32, #tpu.memory_space<vmem_shared>>) target(%dma_start3A_107 : memref<64x128xf32, #tpu.memory_space<vmem>>) target_semaphore(%run_scoped3A : memref<!tpu.dma_semaphore, #tpu.memory_space<semaphore_mem>>)
      %dma_wait3A = arith.constant 0 : i32
      %dma_wait3A_110 = arith.constant 0 : i32
      %dma_wait3A_111 = tpu.memref_slice %arg9[%dma_wait3A, %dma_wait3A_110] : memref<64x128xf32, #tpu.memory_space<vmem>> -> memref<64x128xf32, #tpu.memory_space<vmem>>
      %dma_wait3A_112 = arith.constant 0 : i32
      %dma_wait3A_113 = tpu.memref_slice %arg8[%add3A_52, %dma_wait3A_112] : memref<10240x128xf32, #tpu.memory_space<vmem_shared>> -> memref<64x128xf32, #tpu.memory_space<vmem_shared>>
      %dma_wait3A_114 = arith.constant 0 : i32
      %dma_wait3A_115 = arith.constant 0 : i32
      %dma_wait3A_116 = tpu.memref_slice %arg9[%dma_wait3A_114, %dma_wait3A_115] : memref<64x128xf32, #tpu.memory_space<vmem>> -> memref<64x128xf32, #tpu.memory_space<vmem>>
      %dma_wait3A_117 = arith.constant 0 : i32
      %dma_wait3A_118 = tpu.memref_slice %arg8[%add3A_52, %dma_wait3A_117] : memref<10240x128xf32, #tpu.memory_space<vmem_shared>> -> memref<64x128xf32, #tpu.memory_space<vmem_shared>>
      tpu.wait_dma2 semaphore(%run_scoped3A : memref<!tpu.dma_semaphore, #tpu.memory_space<semaphore_mem>>) src(%dma_wait3A_118 : memref<64x128xf32, #tpu.memory_space<vmem_shared>>) dst(%dma_wait3A_116 : memref<64x128xf32, #tpu.memory_space<vmem>>)
      tpu.yield
    }) : () -> ()
    %mul3A_53 = arith.constant 10240 : i32
    %mul3A_54 = arith.muli %arg0, %mul3A_53 : i32
    %add3A_55 = arith.addi %mul3A_54, %add3A_52 : i32
    "tpu.region"() ({
      %run_scoped3A = tpu.sem_alloc : memref<!tpu.dma_semaphore, #tpu.memory_space<semaphore_mem>>
      %dma_start3A = arith.constant 0 : i32
      %dma_start3A_101 = arith.constant 0 : i32
      %dma_start3A_102 = tpu.memref_slice %arg9[%dma_start3A, %dma_start3A_101] : memref<64x128xf32, #tpu.memory_space<vmem>> -> memref<64x128xf32, #tpu.memory_space<vmem>>
      %dma_start3A_103 = arith.constant 0 : i32
      %dma_start3A_104 = tpu.memref_slice %arg6[%add3A_55, %dma_start3A_103] : memref<20480x128xf32, #tpu.memory_space<hbm>> -> memref<64x128xf32, #tpu.memory_space<hbm>>
      %dma_start3A_105 = arith.constant 0 : i32
      %dma_start3A_106 = tpu.memref_slice %arg6[%add3A_55, %dma_start3A_105] : memref<20480x128xf32, #tpu.memory_space<hbm>> -> memref<64x128xf32, #tpu.memory_space<hbm>>
      %dma_start3A_107 = arith.constant 0 : i32
      %dma_start3A_108 = arith.constant 0 : i32
      %dma_start3A_109 = tpu.memref_slice %arg9[%dma_start3A_107, %dma_start3A_108] : memref<64x128xf32, #tpu.memory_space<vmem>> -> memref<64x128xf32, #tpu.memory_space<vmem>>
      tpu.enqueue_dma source(%dma_start3A_109 : memref<64x128xf32, #tpu.memory_space<vmem>>) target(%dma_start3A_106 : memref<64x128xf32, #tpu.memory_space<hbm>>) target_semaphore(%run_scoped3A : memref<!tpu.dma_semaphore, #tpu.memory_space<semaphore_mem>>)
      %dma_wait3A = arith.constant 0 : i32
      %dma_wait3A_110 = arith.constant 0 : i32
      %dma_wait3A_111 = tpu.memref_slice %arg9[%dma_wait3A, %dma_wait3A_110] : memref<64x128xf32, #tpu.memory_space<vmem>> -> memref<64x128xf32, #tpu.memory_space<vmem>>
      %dma_wait3A_112 = arith.constant 0 : i32
      %dma_wait3A_113 = tpu.memref_slice %arg6[%add3A_55, %dma_wait3A_112] : memref<20480x128xf32, #tpu.memory_space<hbm>> -> memref<64x128xf32, #tpu.memory_space<hbm>>
      %dma_wait3A_114 = arith.constant 0 : i32
      %dma_wait3A_115 = tpu.memref_slice %arg6[%add3A_55, %dma_wait3A_114] : memref<20480x128xf32, #tpu.memory_space<hbm>> -> memref<64x128xf32, #tpu.memory_space<hbm>>
      %dma_wait3A_116 = arith.constant 0 : i32
      %dma_wait3A_117 = arith.constant 0 : i32
      %dma_wait3A_118 = tpu.memref_slice %arg9[%dma_wait3A_116, %dma_wait3A_117] : memref<64x128xf32, #tpu.memory_space<vmem>> -> memref<64x128xf32, #tpu.memory_space<vmem>>
      tpu.wait_dma2 semaphore(%run_scoped3A : memref<!tpu.dma_semaphore, #tpu.memory_space<semaphore_mem>>) src(%dma_wait3A_118 : memref<64x128xf32, #tpu.memory_space<vmem>>) dst(%dma_wait3A_115 : memref<64x128xf32, #tpu.memory_space<hbm>>)
      tpu.yield
    }) : () -> ()
    %add3A_56 = arith.constant 128 : i32
    %add3A_57 = arith.addi %mul3A_9, %add3A_56 : i32
    "tpu.region"() ({
      %run_scoped3A = tpu.sem_alloc : memref<!tpu.dma_semaphore, #tpu.memory_space<semaphore_mem>>
      %dma_start3A = arith.constant 0 : i32
      %dma_start3A_101 = arith.constant 0 : i32
      %dma_start3A_102 = tpu.memref_slice %arg9[%dma_start3A, %dma_start3A_101] : memref<64x128xf32, #tpu.memory_space<vmem>> -> memref<64x128xf32, #tpu.memory_space<vmem>>
      %dma_start3A_103 = arith.constant 0 : i32
      %dma_start3A_104 = tpu.memref_slice %arg8[%add3A_57, %dma_start3A_103] : memref<10240x128xf32, #tpu.memory_space<vmem_shared>> -> memref<64x128xf32, #tpu.memory_space<vmem_shared>>
      %dma_start3A_105 = arith.constant 0 : i32
      %dma_start3A_106 = arith.constant 0 : i32
      %dma_start3A_107 = tpu.memref_slice %arg9[%dma_start3A_105, %dma_start3A_106] : memref<64x128xf32, #tpu.memory_space<vmem>> -> memref<64x128xf32, #tpu.memory_space<vmem>>
      %dma_start3A_108 = arith.constant 0 : i32
      %dma_start3A_109 = tpu.memref_slice %arg8[%add3A_57, %dma_start3A_108] : memref<10240x128xf32, #tpu.memory_space<vmem_shared>> -> memref<64x128xf32, #tpu.memory_space<vmem_shared>>
      tpu.enqueue_dma source(%dma_start3A_109 : memref<64x128xf32, #tpu.memory_space<vmem_shared>>) target(%dma_start3A_107 : memref<64x128xf32, #tpu.memory_space<vmem>>) target_semaphore(%run_scoped3A : memref<!tpu.dma_semaphore, #tpu.memory_space<semaphore_mem>>)
      %dma_wait3A = arith.constant 0 : i32
      %dma_wait3A_110 = arith.constant 0 : i32
      %dma_wait3A_111 = tpu.memref_slice %arg9[%dma_wait3A, %dma_wait3A_110] : memref<64x128xf32, #tpu.memory_space<vmem>> -> memref<64x128xf32, #tpu.memory_space<vmem>>
      %dma_wait3A_112 = arith.constant 0 : i32
      %dma_wait3A_113 = tpu.memref_slice %arg8[%add3A_57, %dma_wait3A_112] : memref<10240x128xf32, #tpu.memory_space<vmem_shared>> -> memref<64x128xf32, #tpu.memory_space<vmem_shared>>
      %dma_wait3A_114 = arith.constant 0 : i32
      %dma_wait3A_115 = arith.constant 0 : i32
      %dma_wait3A_116 = tpu.memref_slice %arg9[%dma_wait3A_114, %dma_wait3A_115] : memref<64x128xf32, #tpu.memory_space<vmem>> -> memref<64x128xf32, #tpu.memory_space<vmem>>
      %dma_wait3A_117 = arith.constant 0 : i32
      %dma_wait3A_118 = tpu.memref_slice %arg8[%add3A_57, %dma_wait3A_117] : memref<10240x128xf32, #tpu.memory_space<vmem_shared>> -> memref<64x128xf32, #tpu.memory_space<vmem_shared>>
      tpu.wait_dma2 semaphore(%run_scoped3A : memref<!tpu.dma_semaphore, #tpu.memory_space<semaphore_mem>>) src(%dma_wait3A_118 : memref<64x128xf32, #tpu.memory_space<vmem_shared>>) dst(%dma_wait3A_116 : memref<64x128xf32, #tpu.memory_space<vmem>>)
      tpu.yield
    }) : () -> ()
    %mul3A_58 = arith.constant 10240 : i32
    %mul3A_59 = arith.muli %arg0, %mul3A_58 : i32
    %add3A_60 = arith.addi %mul3A_59, %add3A_57 : i32
    "tpu.region"() ({
      %run_scoped3A = tpu.sem_alloc : memref<!tpu.dma_semaphore, #tpu.memory_space<semaphore_mem>>
      %dma_start3A = arith.constant 0 : i32
      %dma_start3A_101 = arith.constant 0 : i32
      %dma_start3A_102 = tpu.memref_slice %arg9[%dma_start3A, %dma_start3A_101] : memref<64x128xf32, #tpu.memory_space<vmem>> -> memref<64x128xf32, #tpu.memory_space<vmem>>
      %dma_start3A_103 = arith.constant 0 : i32
      %dma_start3A_104 = tpu.memref_slice %arg6[%add3A_60, %dma_start3A_103] : memref<20480x128xf32, #tpu.memory_space<hbm>> -> memref<64x128xf32, #tpu.memory_space<hbm>>
      %dma_start3A_105 = arith.constant 0 : i32
      %dma_start3A_106 = tpu.memref_slice %arg6[%add3A_60, %dma_start3A_105] : memref<20480x128xf32, #tpu.memory_space<hbm>> -> memref<64x128xf32, #tpu.memory_space<hbm>>
      %dma_start3A_107 = arith.constant 0 : i32
      %dma_start3A_108 = arith.constant 0 : i32
      %dma_start3A_109 = tpu.memref_slice %arg9[%dma_start3A_107, %dma_start3A_108] : memref<64x128xf32, #tpu.memory_space<vmem>> -> memref<64x128xf32, #tpu.memory_space<vmem>>
      tpu.enqueue_dma source(%dma_start3A_109 : memref<64x128xf32, #tpu.memory_space<vmem>>) target(%dma_start3A_106 : memref<64x128xf32, #tpu.memory_space<hbm>>) target_semaphore(%run_scoped3A : memref<!tpu.dma_semaphore, #tpu.memory_space<semaphore_mem>>)
      %dma_wait3A = arith.constant 0 : i32
      %dma_wait3A_110 = arith.constant 0 : i32
      %dma_wait3A_111 = tpu.memref_slice %arg9[%dma_wait3A, %dma_wait3A_110] : memref<64x128xf32, #tpu.memory_space<vmem>> -> memref<64x128xf32, #tpu.memory_space<vmem>>
      %dma_wait3A_112 = arith.constant 0 : i32
      %dma_wait3A_113 = tpu.memref_slice %arg6[%add3A_60, %dma_wait3A_112] : memref<20480x128xf32, #tpu.memory_space<hbm>> -> memref<64x128xf32, #tpu.memory_space<hbm>>
      %dma_wait3A_114 = arith.constant 0 : i32
      %dma_wait3A_115 = tpu.memref_slice %arg6[%add3A_60, %dma_wait3A_114] : memref<20480x128xf32, #tpu.memory_space<hbm>> -> memref<64x128xf32, #tpu.memory_space<hbm>>
      %dma_wait3A_116 = arith.constant 0 : i32
      %dma_wait3A_117 = arith.constant 0 : i32
      %dma_wait3A_118 = tpu.memref_slice %arg9[%dma_wait3A_116, %dma_wait3A_117] : memref<64x128xf32, #tpu.memory_space<vmem>> -> memref<64x128xf32, #tpu.memory_space<vmem>>
      tpu.wait_dma2 semaphore(%run_scoped3A : memref<!tpu.dma_semaphore, #tpu.memory_space<semaphore_mem>>) src(%dma_wait3A_118 : memref<64x128xf32, #tpu.memory_space<vmem>>) dst(%dma_wait3A_115 : memref<64x128xf32, #tpu.memory_space<hbm>>)
      tpu.yield
    }) : () -> ()
    %add3A_61 = arith.constant 192 : i32
    %add3A_62 = arith.addi %mul3A_9, %add3A_61 : i32
    "tpu.region"() ({
      %run_scoped3A = tpu.sem_alloc : memref<!tpu.dma_semaphore, #tpu.memory_space<semaphore_mem>>
      %dma_start3A = arith.constant 0 : i32
      %dma_start3A_101 = arith.constant 0 : i32
      %dma_start3A_102 = tpu.memref_slice %arg9[%dma_start3A, %dma_start3A_101] : memref<64x128xf32, #tpu.memory_space<vmem>> -> memref<64x128xf32, #tpu.memory_space<vmem>>
      %dma_start3A_103 = arith.constant 0 : i32
      %dma_start3A_104 = tpu.memref_slice %arg8[%add3A_62, %dma_start3A_103] : memref<10240x128xf32, #tpu.memory_space<vmem_shared>> -> memref<64x128xf32, #tpu.memory_space<vmem_shared>>
      %dma_start3A_105 = arith.constant 0 : i32
      %dma_start3A_106 = arith.constant 0 : i32
      %dma_start3A_107 = tpu.memref_slice %arg9[%dma_start3A_105, %dma_start3A_106] : memref<64x128xf32, #tpu.memory_space<vmem>> -> memref<64x128xf32, #tpu.memory_space<vmem>>
      %dma_start3A_108 = arith.constant 0 : i32
      %dma_start3A_109 = tpu.memref_slice %arg8[%add3A_62, %dma_start3A_108] : memref<10240x128xf32, #tpu.memory_space<vmem_shared>> -> memref<64x128xf32, #tpu.memory_space<vmem_shared>>
      tpu.enqueue_dma source(%dma_start3A_109 : memref<64x128xf32, #tpu.memory_space<vmem_shared>>) target(%dma_start3A_107 : memref<64x128xf32, #tpu.memory_space<vmem>>) target_semaphore(%run_scoped3A : memref<!tpu.dma_semaphore, #tpu.memory_space<semaphore_mem>>)
      %dma_wait3A = arith.constant 0 : i32
      %dma_wait3A_110 = arith.constant 0 : i32
      %dma_wait3A_111 = tpu.memref_slice %arg9[%dma_wait3A, %dma_wait3A_110] : memref<64x128xf32, #tpu.memory_space<vmem>> -> memref<64x128xf32, #tpu.memory_space<vmem>>
      %dma_wait3A_112 = arith.constant 0 : i32
      %dma_wait3A_113 = tpu.memref_slice %arg8[%add3A_62, %dma_wait3A_112] : memref<10240x128xf32, #tpu.memory_space<vmem_shared>> -> memref<64x128xf32, #tpu.memory_space<vmem_shared>>
      %dma_wait3A_114 = arith.constant 0 : i32
      %dma_wait3A_115 = arith.constant 0 : i32
      %dma_wait3A_116 = tpu.memref_slice %arg9[%dma_wait3A_114, %dma_wait3A_115] : memref<64x128xf32, #tpu.memory_space<vmem>> -> memref<64x128xf32, #tpu.memory_space<vmem>>
      %dma_wait3A_117 = arith.constant 0 : i32
      %dma_wait3A_118 = tpu.memref_slice %arg8[%add3A_62, %dma_wait3A_117] : memref<10240x128xf32, #tpu.memory_space<vmem_shared>> -> memref<64x128xf32, #tpu.memory_space<vmem_shared>>
      tpu.wait_dma2 semaphore(%run_scoped3A : memref<!tpu.dma_semaphore, #tpu.memory_space<semaphore_mem>>) src(%dma_wait3A_118 : memref<64x128xf32, #tpu.memory_space<vmem_shared>>) dst(%dma_wait3A_116 : memref<64x128xf32, #tpu.memory_space<vmem>>)
      tpu.yield
    }) : () -> ()
    %mul3A_63 = arith.constant 10240 : i32
    %mul3A_64 = arith.muli %arg0, %mul3A_63 : i32
    %add3A_65 = arith.addi %mul3A_64, %add3A_62 : i32
    "tpu.region"() ({
      %run_scoped3A = tpu.sem_alloc : memref<!tpu.dma_semaphore, #tpu.memory_space<semaphore_mem>>
      %dma_start3A = arith.constant 0 : i32
      %dma_start3A_101 = arith.constant 0 : i32
      %dma_start3A_102 = tpu.memref_slice %arg9[%dma_start3A, %dma_start3A_101] : memref<64x128xf32, #tpu.memory_space<vmem>> -> memref<64x128xf32, #tpu.memory_space<vmem>>
      %dma_start3A_103 = arith.constant 0 : i32
      %dma_start3A_104 = tpu.memref_slice %arg6[%add3A_65, %dma_start3A_103] : memref<20480x128xf32, #tpu.memory_space<hbm>> -> memref<64x128xf32, #tpu.memory_space<hbm>>
      %dma_start3A_105 = arith.constant 0 : i32
      %dma_start3A_106 = tpu.memref_slice %arg6[%add3A_65, %dma_start3A_105] : memref<20480x128xf32, #tpu.memory_space<hbm>> -> memref<64x128xf32, #tpu.memory_space<hbm>>
      %dma_start3A_107 = arith.constant 0 : i32
      %dma_start3A_108 = arith.constant 0 : i32
      %dma_start3A_109 = tpu.memref_slice %arg9[%dma_start3A_107, %dma_start3A_108] : memref<64x128xf32, #tpu.memory_space<vmem>> -> memref<64x128xf32, #tpu.memory_space<vmem>>
      tpu.enqueue_dma source(%dma_start3A_109 : memref<64x128xf32, #tpu.memory_space<vmem>>) target(%dma_start3A_106 : memref<64x128xf32, #tpu.memory_space<hbm>>) target_semaphore(%run_scoped3A : memref<!tpu.dma_semaphore, #tpu.memory_space<semaphore_mem>>)
      %dma_wait3A = arith.constant 0 : i32
      %dma_wait3A_110 = arith.constant 0 : i32
      %dma_wait3A_111 = tpu.memref_slice %arg9[%dma_wait3A, %dma_wait3A_110] : memref<64x128xf32, #tpu.memory_space<vmem>> -> memref<64x128xf32, #tpu.memory_space<vmem>>
      %dma_wait3A_112 = arith.constant 0 : i32
      %dma_wait3A_113 = tpu.memref_slice %arg6[%add3A_65, %dma_wait3A_112] : memref<20480x128xf32, #tpu.memory_space<hbm>> -> memref<64x128xf32, #tpu.memory_space<hbm>>
      %dma_wait3A_114 = arith.constant 0 : i32
      %dma_wait3A_115 = tpu.memref_slice %arg6[%add3A_65, %dma_wait3A_114] : memref<20480x128xf32, #tpu.memory_space<hbm>> -> memref<64x128xf32, #tpu.memory_space<hbm>>
      %dma_wait3A_116 = arith.constant 0 : i32
      %dma_wait3A_117 = arith.constant 0 : i32
      %dma_wait3A_118 = tpu.memref_slice %arg9[%dma_wait3A_116, %dma_wait3A_117] : memref<64x128xf32, #tpu.memory_space<vmem>> -> memref<64x128xf32, #tpu.memory_space<vmem>>
      tpu.wait_dma2 semaphore(%run_scoped3A : memref<!tpu.dma_semaphore, #tpu.memory_space<semaphore_mem>>) src(%dma_wait3A_118 : memref<64x128xf32, #tpu.memory_space<vmem>>) dst(%dma_wait3A_115 : memref<64x128xf32, #tpu.memory_space<hbm>>)
      tpu.yield
    }) : () -> ()
    %add3A_66 = arith.constant 256 : i32
    %add3A_67 = arith.addi %mul3A_9, %add3A_66 : i32
    "tpu.region"() ({
      %run_scoped3A = tpu.sem_alloc : memref<!tpu.dma_semaphore, #tpu.memory_space<semaphore_mem>>
      %dma_start3A = arith.constant 0 : i32
      %dma_start3A_101 = arith.constant 0 : i32
      %dma_start3A_102 = tpu.memref_slice %arg9[%dma_start3A, %dma_start3A_101] : memref<64x128xf32, #tpu.memory_space<vmem>> -> memref<64x128xf32, #tpu.memory_space<vmem>>
      %dma_start3A_103 = arith.constant 0 : i32
      %dma_start3A_104 = tpu.memref_slice %arg8[%add3A_67, %dma_start3A_103] : memref<10240x128xf32, #tpu.memory_space<vmem_shared>> -> memref<64x128xf32, #tpu.memory_space<vmem_shared>>
      %dma_start3A_105 = arith.constant 0 : i32
      %dma_start3A_106 = arith.constant 0 : i32
      %dma_start3A_107 = tpu.memref_slice %arg9[%dma_start3A_105, %dma_start3A_106] : memref<64x128xf32, #tpu.memory_space<vmem>> -> memref<64x128xf32, #tpu.memory_space<vmem>>
      %dma_start3A_108 = arith.constant 0 : i32
      %dma_start3A_109 = tpu.memref_slice %arg8[%add3A_67, %dma_start3A_108] : memref<10240x128xf32, #tpu.memory_space<vmem_shared>> -> memref<64x128xf32, #tpu.memory_space<vmem_shared>>
      tpu.enqueue_dma source(%dma_start3A_109 : memref<64x128xf32, #tpu.memory_space<vmem_shared>>) target(%dma_start3A_107 : memref<64x128xf32, #tpu.memory_space<vmem>>) target_semaphore(%run_scoped3A : memref<!tpu.dma_semaphore, #tpu.memory_space<semaphore_mem>>)
      %dma_wait3A = arith.constant 0 : i32
      %dma_wait3A_110 = arith.constant 0 : i32
      %dma_wait3A_111 = tpu.memref_slice %arg9[%dma_wait3A, %dma_wait3A_110] : memref<64x128xf32, #tpu.memory_space<vmem>> -> memref<64x128xf32, #tpu.memory_space<vmem>>
      %dma_wait3A_112 = arith.constant 0 : i32
      %dma_wait3A_113 = tpu.memref_slice %arg8[%add3A_67, %dma_wait3A_112] : memref<10240x128xf32, #tpu.memory_space<vmem_shared>> -> memref<64x128xf32, #tpu.memory_space<vmem_shared>>
      %dma_wait3A_114 = arith.constant 0 : i32
      %dma_wait3A_115 = arith.constant 0 : i32
      %dma_wait3A_116 = tpu.memref_slice %arg9[%dma_wait3A_114, %dma_wait3A_115] : memref<64x128xf32, #tpu.memory_space<vmem>> -> memref<64x128xf32, #tpu.memory_space<vmem>>
      %dma_wait3A_117 = arith.constant 0 : i32
      %dma_wait3A_118 = tpu.memref_slice %arg8[%add3A_67, %dma_wait3A_117] : memref<10240x128xf32, #tpu.memory_space<vmem_shared>> -> memref<64x128xf32, #tpu.memory_space<vmem_shared>>
      tpu.wait_dma2 semaphore(%run_scoped3A : memref<!tpu.dma_semaphore, #tpu.memory_space<semaphore_mem>>) src(%dma_wait3A_118 : memref<64x128xf32, #tpu.memory_space<vmem_shared>>) dst(%dma_wait3A_116 : memref<64x128xf32, #tpu.memory_space<vmem>>)
      tpu.yield
    }) : () -> ()
    %mul3A_68 = arith.constant 10240 : i32
    %mul3A_69 = arith.muli %arg0, %mul3A_68 : i32
    %add3A_70 = arith.addi %mul3A_69, %add3A_67 : i32
    "tpu.region"() ({
      %run_scoped3A = tpu.sem_alloc : memref<!tpu.dma_semaphore, #tpu.memory_space<semaphore_mem>>
      %dma_start3A = arith.constant 0 : i32
      %dma_start3A_101 = arith.constant 0 : i32
      %dma_start3A_102 = tpu.memref_slice %arg9[%dma_start3A, %dma_start3A_101] : memref<64x128xf32, #tpu.memory_space<vmem>> -> memref<64x128xf32, #tpu.memory_space<vmem>>
      %dma_start3A_103 = arith.constant 0 : i32
      %dma_start3A_104 = tpu.memref_slice %arg6[%add3A_70, %dma_start3A_103] : memref<20480x128xf32, #tpu.memory_space<hbm>> -> memref<64x128xf32, #tpu.memory_space<hbm>>
      %dma_start3A_105 = arith.constant 0 : i32
      %dma_start3A_106 = tpu.memref_slice %arg6[%add3A_70, %dma_start3A_105] : memref<20480x128xf32, #tpu.memory_space<hbm>> -> memref<64x128xf32, #tpu.memory_space<hbm>>
      %dma_start3A_107 = arith.constant 0 : i32
      %dma_start3A_108 = arith.constant 0 : i32
      %dma_start3A_109 = tpu.memref_slice %arg9[%dma_start3A_107, %dma_start3A_108] : memref<64x128xf32, #tpu.memory_space<vmem>> -> memref<64x128xf32, #tpu.memory_space<vmem>>
      tpu.enqueue_dma source(%dma_start3A_109 : memref<64x128xf32, #tpu.memory_space<vmem>>) target(%dma_start3A_106 : memref<64x128xf32, #tpu.memory_space<hbm>>) target_semaphore(%run_scoped3A : memref<!tpu.dma_semaphore, #tpu.memory_space<semaphore_mem>>)
      %dma_wait3A = arith.constant 0 : i32
      %dma_wait3A_110 = arith.constant 0 : i32
      %dma_wait3A_111 = tpu.memref_slice %arg9[%dma_wait3A, %dma_wait3A_110] : memref<64x128xf32, #tpu.memory_space<vmem>> -> memref<64x128xf32, #tpu.memory_space<vmem>>
      %dma_wait3A_112 = arith.constant 0 : i32
      %dma_wait3A_113 = tpu.memref_slice %arg6[%add3A_70, %dma_wait3A_112] : memref<20480x128xf32, #tpu.memory_space<hbm>> -> memref<64x128xf32, #tpu.memory_space<hbm>>
      %dma_wait3A_114 = arith.constant 0 : i32
      %dma_wait3A_115 = tpu.memref_slice %arg6[%add3A_70, %dma_wait3A_114] : memref<20480x128xf32, #tpu.memory_space<hbm>> -> memref<64x128xf32, #tpu.memory_space<hbm>>
      %dma_wait3A_116 = arith.constant 0 : i32
      %dma_wait3A_117 = arith.constant 0 : i32
      %dma_wait3A_118 = tpu.memref_slice %arg9[%dma_wait3A_116, %dma_wait3A_117] : memref<64x128xf32, #tpu.memory_space<vmem>> -> memref<64x128xf32, #tpu.memory_space<vmem>>
      tpu.wait_dma2 semaphore(%run_scoped3A : memref<!tpu.dma_semaphore, #tpu.memory_space<semaphore_mem>>) src(%dma_wait3A_118 : memref<64x128xf32, #tpu.memory_space<vmem>>) dst(%dma_wait3A_115 : memref<64x128xf32, #tpu.memory_space<hbm>>)
      tpu.yield
    }) : () -> ()
    %add3A_71 = arith.constant 320 : i32
    %add3A_72 = arith.addi %mul3A_9, %add3A_71 : i32
    "tpu.region"() ({
      %run_scoped3A = tpu.sem_alloc : memref<!tpu.dma_semaphore, #tpu.memory_space<semaphore_mem>>
      %dma_start3A = arith.constant 0 : i32
      %dma_start3A_101 = arith.constant 0 : i32
      %dma_start3A_102 = tpu.memref_slice %arg9[%dma_start3A, %dma_start3A_101] : memref<64x128xf32, #tpu.memory_space<vmem>> -> memref<64x128xf32, #tpu.memory_space<vmem>>
      %dma_start3A_103 = arith.constant 0 : i32
      %dma_start3A_104 = tpu.memref_slice %arg8[%add3A_72, %dma_start3A_103] : memref<10240x128xf32, #tpu.memory_space<vmem_shared>> -> memref<64x128xf32, #tpu.memory_space<vmem_shared>>
      %dma_start3A_105 = arith.constant 0 : i32
      %dma_start3A_106 = arith.constant 0 : i32
      %dma_start3A_107 = tpu.memref_slice %arg9[%dma_start3A_105, %dma_start3A_106] : memref<64x128xf32, #tpu.memory_space<vmem>> -> memref<64x128xf32, #tpu.memory_space<vmem>>
      %dma_start3A_108 = arith.constant 0 : i32
      %dma_start3A_109 = tpu.memref_slice %arg8[%add3A_72, %dma_start3A_108] : memref<10240x128xf32, #tpu.memory_space<vmem_shared>> -> memref<64x128xf32, #tpu.memory_space<vmem_shared>>
      tpu.enqueue_dma source(%dma_start3A_109 : memref<64x128xf32, #tpu.memory_space<vmem_shared>>) target(%dma_start3A_107 : memref<64x128xf32, #tpu.memory_space<vmem>>) target_semaphore(%run_scoped3A : memref<!tpu.dma_semaphore, #tpu.memory_space<semaphore_mem>>)
      %dma_wait3A = arith.constant 0 : i32
      %dma_wait3A_110 = arith.constant 0 : i32
      %dma_wait3A_111 = tpu.memref_slice %arg9[%dma_wait3A, %dma_wait3A_110] : memref<64x128xf32, #tpu.memory_space<vmem>> -> memref<64x128xf32, #tpu.memory_space<vmem>>
      %dma_wait3A_112 = arith.constant 0 : i32
      %dma_wait3A_113 = tpu.memref_slice %arg8[%add3A_72, %dma_wait3A_112] : memref<10240x128xf32, #tpu.memory_space<vmem_shared>> -> memref<64x128xf32, #tpu.memory_space<vmem_shared>>
      %dma_wait3A_114 = arith.constant 0 : i32
      %dma_wait3A_115 = arith.constant 0 : i32
      %dma_wait3A_116 = tpu.memref_slice %arg9[%dma_wait3A_114, %dma_wait3A_115] : memref<64x128xf32, #tpu.memory_space<vmem>> -> memref<64x128xf32, #tpu.memory_space<vmem>>
      %dma_wait3A_117 = arith.constant 0 : i32
      %dma_wait3A_118 = tpu.memref_slice %arg8[%add3A_72, %dma_wait3A_117] : memref<10240x128xf32, #tpu.memory_space<vmem_shared>> -> memref<64x128xf32, #tpu.memory_space<vmem_shared>>
      tpu.wait_dma2 semaphore(%run_scoped3A : memref<!tpu.dma_semaphore, #tpu.memory_space<semaphore_mem>>) src(%dma_wait3A_118 : memref<64x128xf32, #tpu.memory_space<vmem_shared>>) dst(%dma_wait3A_116 : memref<64x128xf32, #tpu.memory_space<vmem>>)
      tpu.yield
    }) : () -> ()
    %mul3A_73 = arith.constant 10240 : i32
    %mul3A_74 = arith.muli %arg0, %mul3A_73 : i32
    %add3A_75 = arith.addi %mul3A_74, %add3A_72 : i32
    "tpu.region"() ({
      %run_scoped3A = tpu.sem_alloc : memref<!tpu.dma_semaphore, #tpu.memory_space<semaphore_mem>>
      %dma_start3A = arith.constant 0 : i32
      %dma_start3A_101 = arith.constant 0 : i32
      %dma_start3A_102 = tpu.memref_slice %arg9[%dma_start3A, %dma_start3A_101] : memref<64x128xf32, #tpu.memory_space<vmem>> -> memref<64x128xf32, #tpu.memory_space<vmem>>
      %dma_start3A_103 = arith.constant 0 : i32
      %dma_start3A_104 = tpu.memref_slice %arg6[%add3A_75, %dma_start3A_103] : memref<20480x128xf32, #tpu.memory_space<hbm>> -> memref<64x128xf32, #tpu.memory_space<hbm>>
      %dma_start3A_105 = arith.constant 0 : i32
      %dma_start3A_106 = tpu.memref_slice %arg6[%add3A_75, %dma_start3A_105] : memref<20480x128xf32, #tpu.memory_space<hbm>> -> memref<64x128xf32, #tpu.memory_space<hbm>>
      %dma_start3A_107 = arith.constant 0 : i32
      %dma_start3A_108 = arith.constant 0 : i32
      %dma_start3A_109 = tpu.memref_slice %arg9[%dma_start3A_107, %dma_start3A_108] : memref<64x128xf32, #tpu.memory_space<vmem>> -> memref<64x128xf32, #tpu.memory_space<vmem>>
      tpu.enqueue_dma source(%dma_start3A_109 : memref<64x128xf32, #tpu.memory_space<vmem>>) target(%dma_start3A_106 : memref<64x128xf32, #tpu.memory_space<hbm>>) target_semaphore(%run_scoped3A : memref<!tpu.dma_semaphore, #tpu.memory_space<semaphore_mem>>)
      %dma_wait3A = arith.constant 0 : i32
      %dma_wait3A_110 = arith.constant 0 : i32
      %dma_wait3A_111 = tpu.memref_slice %arg9[%dma_wait3A, %dma_wait3A_110] : memref<64x128xf32, #tpu.memory_space<vmem>> -> memref<64x128xf32, #tpu.memory_space<vmem>>
      %dma_wait3A_112 = arith.constant 0 : i32
      %dma_wait3A_113 = tpu.memref_slice %arg6[%add3A_75, %dma_wait3A_112] : memref<20480x128xf32, #tpu.memory_space<hbm>> -> memref<64x128xf32, #tpu.memory_space<hbm>>
      %dma_wait3A_114 = arith.constant 0 : i32
      %dma_wait3A_115 = tpu.memref_slice %arg6[%add3A_75, %dma_wait3A_114] : memref<20480x128xf32, #tpu.memory_space<hbm>> -> memref<64x128xf32, #tpu.memory_space<hbm>>
      %dma_wait3A_116 = arith.constant 0 : i32
      %dma_wait3A_117 = arith.constant 0 : i32
      %dma_wait3A_118 = tpu.memref_slice %arg9[%dma_wait3A_116, %dma_wait3A_117] : memref<64x128xf32, #tpu.memory_space<vmem>> -> memref<64x128xf32, #tpu.memory_space<vmem>>
      tpu.wait_dma2 semaphore(%run_scoped3A : memref<!tpu.dma_semaphore, #tpu.memory_space<semaphore_mem>>) src(%dma_wait3A_118 : memref<64x128xf32, #tpu.memory_space<vmem>>) dst(%dma_wait3A_115 : memref<64x128xf32, #tpu.memory_space<hbm>>)
      tpu.yield
    }) : () -> ()
    %add3A_76 = arith.constant 384 : i32
    %add3A_77 = arith.addi %mul3A_9, %add3A_76 : i32
    "tpu.region"() ({
      %run_scoped3A = tpu.sem_alloc : memref<!tpu.dma_semaphore, #tpu.memory_space<semaphore_mem>>
      %dma_start3A = arith.constant 0 : i32
      %dma_start3A_101 = arith.constant 0 : i32
      %dma_start3A_102 = tpu.memref_slice %arg9[%dma_start3A, %dma_start3A_101] : memref<64x128xf32, #tpu.memory_space<vmem>> -> memref<64x128xf32, #tpu.memory_space<vmem>>
      %dma_start3A_103 = arith.constant 0 : i32
      %dma_start3A_104 = tpu.memref_slice %arg8[%add3A_77, %dma_start3A_103] : memref<10240x128xf32, #tpu.memory_space<vmem_shared>> -> memref<64x128xf32, #tpu.memory_space<vmem_shared>>
      %dma_start3A_105 = arith.constant 0 : i32
      %dma_start3A_106 = arith.constant 0 : i32
      %dma_start3A_107 = tpu.memref_slice %arg9[%dma_start3A_105, %dma_start3A_106] : memref<64x128xf32, #tpu.memory_space<vmem>> -> memref<64x128xf32, #tpu.memory_space<vmem>>
      %dma_start3A_108 = arith.constant 0 : i32
      %dma_start3A_109 = tpu.memref_slice %arg8[%add3A_77, %dma_start3A_108] : memref<10240x128xf32, #tpu.memory_space<vmem_shared>> -> memref<64x128xf32, #tpu.memory_space<vmem_shared>>
      tpu.enqueue_dma source(%dma_start3A_109 : memref<64x128xf32, #tpu.memory_space<vmem_shared>>) target(%dma_start3A_107 : memref<64x128xf32, #tpu.memory_space<vmem>>) target_semaphore(%run_scoped3A : memref<!tpu.dma_semaphore, #tpu.memory_space<semaphore_mem>>)
      %dma_wait3A = arith.constant 0 : i32
      %dma_wait3A_110 = arith.constant 0 : i32
      %dma_wait3A_111 = tpu.memref_slice %arg9[%dma_wait3A, %dma_wait3A_110] : memref<64x128xf32, #tpu.memory_space<vmem>> -> memref<64x128xf32, #tpu.memory_space<vmem>>
      %dma_wait3A_112 = arith.constant 0 : i32
      %dma_wait3A_113 = tpu.memref_slice %arg8[%add3A_77, %dma_wait3A_112] : memref<10240x128xf32, #tpu.memory_space<vmem_shared>> -> memref<64x128xf32, #tpu.memory_space<vmem_shared>>
      %dma_wait3A_114 = arith.constant 0 : i32
      %dma_wait3A_115 = arith.constant 0 : i32
      %dma_wait3A_116 = tpu.memref_slice %arg9[%dma_wait3A_114, %dma_wait3A_115] : memref<64x128xf32, #tpu.memory_space<vmem>> -> memref<64x128xf32, #tpu.memory_space<vmem>>
      %dma_wait3A_117 = arith.constant 0 : i32
      %dma_wait3A_118 = tpu.memref_slice %arg8[%add3A_77, %dma_wait3A_117] : memref<10240x128xf32, #tpu.memory_space<vmem_shared>> -> memref<64x128xf32, #tpu.memory_space<vmem_shared>>
      tpu.wait_dma2 semaphore(%run_scoped3A : memref<!tpu.dma_semaphore, #tpu.memory_space<semaphore_mem>>) src(%dma_wait3A_118 : memref<64x128xf32, #tpu.memory_space<vmem_shared>>) dst(%dma_wait3A_116 : memref<64x128xf32, #tpu.memory_space<vmem>>)
      tpu.yield
    }) : () -> ()
    %mul3A_78 = arith.constant 10240 : i32
    %mul3A_79 = arith.muli %arg0, %mul3A_78 : i32
    %add3A_80 = arith.addi %mul3A_79, %add3A_77 : i32
    "tpu.region"() ({
      %run_scoped3A = tpu.sem_alloc : memref<!tpu.dma_semaphore, #tpu.memory_space<semaphore_mem>>
      %dma_start3A = arith.constant 0 : i32
      %dma_start3A_101 = arith.constant 0 : i32
      %dma_start3A_102 = tpu.memref_slice %arg9[%dma_start3A, %dma_start3A_101] : memref<64x128xf32, #tpu.memory_space<vmem>> -> memref<64x128xf32, #tpu.memory_space<vmem>>
      %dma_start3A_103 = arith.constant 0 : i32
      %dma_start3A_104 = tpu.memref_slice %arg6[%add3A_80, %dma_start3A_103] : memref<20480x128xf32, #tpu.memory_space<hbm>> -> memref<64x128xf32, #tpu.memory_space<hbm>>
      %dma_start3A_105 = arith.constant 0 : i32
      %dma_start3A_106 = tpu.memref_slice %arg6[%add3A_80, %dma_start3A_105] : memref<20480x128xf32, #tpu.memory_space<hbm>> -> memref<64x128xf32, #tpu.memory_space<hbm>>
      %dma_start3A_107 = arith.constant 0 : i32
      %dma_start3A_108 = arith.constant 0 : i32
      %dma_start3A_109 = tpu.memref_slice %arg9[%dma_start3A_107, %dma_start3A_108] : memref<64x128xf32, #tpu.memory_space<vmem>> -> memref<64x128xf32, #tpu.memory_space<vmem>>
      tpu.enqueue_dma source(%dma_start3A_109 : memref<64x128xf32, #tpu.memory_space<vmem>>) target(%dma_start3A_106 : memref<64x128xf32, #tpu.memory_space<hbm>>) target_semaphore(%run_scoped3A : memref<!tpu.dma_semaphore, #tpu.memory_space<semaphore_mem>>)
      %dma_wait3A = arith.constant 0 : i32
      %dma_wait3A_110 = arith.constant 0 : i32
      %dma_wait3A_111 = tpu.memref_slice %arg9[%dma_wait3A, %dma_wait3A_110] : memref<64x128xf32, #tpu.memory_space<vmem>> -> memref<64x128xf32, #tpu.memory_space<vmem>>
      %dma_wait3A_112 = arith.constant 0 : i32
      %dma_wait3A_113 = tpu.memref_slice %arg6[%add3A_80, %dma_wait3A_112] : memref<20480x128xf32, #tpu.memory_space<hbm>> -> memref<64x128xf32, #tpu.memory_space<hbm>>
      %dma_wait3A_114 = arith.constant 0 : i32
      %dma_wait3A_115 = tpu.memref_slice %arg6[%add3A_80, %dma_wait3A_114] : memref<20480x128xf32, #tpu.memory_space<hbm>> -> memref<64x128xf32, #tpu.memory_space<hbm>>
      %dma_wait3A_116 = arith.constant 0 : i32
      %dma_wait3A_117 = arith.constant 0 : i32
      %dma_wait3A_118 = tpu.memref_slice %arg9[%dma_wait3A_116, %dma_wait3A_117] : memref<64x128xf32, #tpu.memory_space<vmem>> -> memref<64x128xf32, #tpu.memory_space<vmem>>
      tpu.wait_dma2 semaphore(%run_scoped3A : memref<!tpu.dma_semaphore, #tpu.memory_space<semaphore_mem>>) src(%dma_wait3A_118 : memref<64x128xf32, #tpu.memory_space<vmem>>) dst(%dma_wait3A_115 : memref<64x128xf32, #tpu.memory_space<hbm>>)
      tpu.yield
    }) : () -> ()
    %add3A_81 = arith.constant 448 : i32
    %add3A_82 = arith.addi %mul3A_9, %add3A_81 : i32
    "tpu.region"() ({
      %run_scoped3A = tpu.sem_alloc : memref<!tpu.dma_semaphore, #tpu.memory_space<semaphore_mem>>
      %dma_start3A = arith.constant 0 : i32
      %dma_start3A_101 = arith.constant 0 : i32
      %dma_start3A_102 = tpu.memref_slice %arg9[%dma_start3A, %dma_start3A_101] : memref<64x128xf32, #tpu.memory_space<vmem>> -> memref<64x128xf32, #tpu.memory_space<vmem>>
      %dma_start3A_103 = arith.constant 0 : i32
      %dma_start3A_104 = tpu.memref_slice %arg8[%add3A_82, %dma_start3A_103] : memref<10240x128xf32, #tpu.memory_space<vmem_shared>> -> memref<64x128xf32, #tpu.memory_space<vmem_shared>>
      %dma_start3A_105 = arith.constant 0 : i32
      %dma_start3A_106 = arith.constant 0 : i32
      %dma_start3A_107 = tpu.memref_slice %arg9[%dma_start3A_105, %dma_start3A_106] : memref<64x128xf32, #tpu.memory_space<vmem>> -> memref<64x128xf32, #tpu.memory_space<vmem>>
      %dma_start3A_108 = arith.constant 0 : i32
      %dma_start3A_109 = tpu.memref_slice %arg8[%add3A_82, %dma_start3A_108] : memref<10240x128xf32, #tpu.memory_space<vmem_shared>> -> memref<64x128xf32, #tpu.memory_space<vmem_shared>>
      tpu.enqueue_dma source(%dma_start3A_109 : memref<64x128xf32, #tpu.memory_space<vmem_shared>>) target(%dma_start3A_107 : memref<64x128xf32, #tpu.memory_space<vmem>>) target_semaphore(%run_scoped3A : memref<!tpu.dma_semaphore, #tpu.memory_space<semaphore_mem>>)
      %dma_wait3A = arith.constant 0 : i32
      %dma_wait3A_110 = arith.constant 0 : i32
      %dma_wait3A_111 = tpu.memref_slice %arg9[%dma_wait3A, %dma_wait3A_110] : memref<64x128xf32, #tpu.memory_space<vmem>> -> memref<64x128xf32, #tpu.memory_space<vmem>>
      %dma_wait3A_112 = arith.constant 0 : i32
      %dma_wait3A_113 = tpu.memref_slice %arg8[%add3A_82, %dma_wait3A_112] : memref<10240x128xf32, #tpu.memory_space<vmem_shared>> -> memref<64x128xf32, #tpu.memory_space<vmem_shared>>
      %dma_wait3A_114 = arith.constant 0 : i32
      %dma_wait3A_115 = arith.constant 0 : i32
      %dma_wait3A_116 = tpu.memref_slice %arg9[%dma_wait3A_114, %dma_wait3A_115] : memref<64x128xf32, #tpu.memory_space<vmem>> -> memref<64x128xf32, #tpu.memory_space<vmem>>
      %dma_wait3A_117 = arith.constant 0 : i32
      %dma_wait3A_118 = tpu.memref_slice %arg8[%add3A_82, %dma_wait3A_117] : memref<10240x128xf32, #tpu.memory_space<vmem_shared>> -> memref<64x128xf32, #tpu.memory_space<vmem_shared>>
      tpu.wait_dma2 semaphore(%run_scoped3A : memref<!tpu.dma_semaphore, #tpu.memory_space<semaphore_mem>>) src(%dma_wait3A_118 : memref<64x128xf32, #tpu.memory_space<vmem_shared>>) dst(%dma_wait3A_116 : memref<64x128xf32, #tpu.memory_space<vmem>>)
      tpu.yield
    }) : () -> ()
    %mul3A_83 = arith.constant 10240 : i32
    %mul3A_84 = arith.muli %arg0, %mul3A_83 : i32
    %add3A_85 = arith.addi %mul3A_84, %add3A_82 : i32
    "tpu.region"() ({
      %run_scoped3A = tpu.sem_alloc : memref<!tpu.dma_semaphore, #tpu.memory_space<semaphore_mem>>
      %dma_start3A = arith.constant 0 : i32
      %dma_start3A_101 = arith.constant 0 : i32
      %dma_start3A_102 = tpu.memref_slice %arg9[%dma_start3A, %dma_start3A_101] : memref<64x128xf32, #tpu.memory_space<vmem>> -> memref<64x128xf32, #tpu.memory_space<vmem>>
      %dma_start3A_103 = arith.constant 0 : i32
      %dma_start3A_104 = tpu.memref_slice %arg6[%add3A_85, %dma_start3A_103] : memref<20480x128xf32, #tpu.memory_space<hbm>> -> memref<64x128xf32, #tpu.memory_space<hbm>>
      %dma_start3A_105 = arith.constant 0 : i32
      %dma_start3A_106 = tpu.memref_slice %arg6[%add3A_85, %dma_start3A_105] : memref<20480x128xf32, #tpu.memory_space<hbm>> -> memref<64x128xf32, #tpu.memory_space<hbm>>
      %dma_start3A_107 = arith.constant 0 : i32
      %dma_start3A_108 = arith.constant 0 : i32
      %dma_start3A_109 = tpu.memref_slice %arg9[%dma_start3A_107, %dma_start3A_108] : memref<64x128xf32, #tpu.memory_space<vmem>> -> memref<64x128xf32, #tpu.memory_space<vmem>>
      tpu.enqueue_dma source(%dma_start3A_109 : memref<64x128xf32, #tpu.memory_space<vmem>>) target(%dma_start3A_106 : memref<64x128xf32, #tpu.memory_space<hbm>>) target_semaphore(%run_scoped3A : memref<!tpu.dma_semaphore, #tpu.memory_space<semaphore_mem>>)
      %dma_wait3A = arith.constant 0 : i32
      %dma_wait3A_110 = arith.constant 0 : i32
      %dma_wait3A_111 = tpu.memref_slice %arg9[%dma_wait3A, %dma_wait3A_110] : memref<64x128xf32, #tpu.memory_space<vmem>> -> memref<64x128xf32, #tpu.memory_space<vmem>>
      %dma_wait3A_112 = arith.constant 0 : i32
      %dma_wait3A_113 = tpu.memref_slice %arg6[%add3A_85, %dma_wait3A_112] : memref<20480x128xf32, #tpu.memory_space<hbm>> -> memref<64x128xf32, #tpu.memory_space<hbm>>
      %dma_wait3A_114 = arith.constant 0 : i32
      %dma_wait3A_115 = tpu.memref_slice %arg6[%add3A_85, %dma_wait3A_114] : memref<20480x128xf32, #tpu.memory_space<hbm>> -> memref<64x128xf32, #tpu.memory_space<hbm>>
      %dma_wait3A_116 = arith.constant 0 : i32
      %dma_wait3A_117 = arith.constant 0 : i32
      %dma_wait3A_118 = tpu.memref_slice %arg9[%dma_wait3A_116, %dma_wait3A_117] : memref<64x128xf32, #tpu.memory_space<vmem>> -> memref<64x128xf32, #tpu.memory_space<vmem>>
      tpu.wait_dma2 semaphore(%run_scoped3A : memref<!tpu.dma_semaphore, #tpu.memory_space<semaphore_mem>>) src(%dma_wait3A_118 : memref<64x128xf32, #tpu.memory_space<vmem>>) dst(%dma_wait3A_115 : memref<64x128xf32, #tpu.memory_space<hbm>>)
      tpu.yield
    }) : () -> ()
    %add3A_86 = arith.constant 512 : i32
    %add3A_87 = arith.addi %mul3A_9, %add3A_86 : i32
    "tpu.region"() ({
      %run_scoped3A = tpu.sem_alloc : memref<!tpu.dma_semaphore, #tpu.memory_space<semaphore_mem>>
      %dma_start3A = arith.constant 0 : i32
      %dma_start3A_101 = arith.constant 0 : i32
      %dma_start3A_102 = tpu.memref_slice %arg9[%dma_start3A, %dma_start3A_101] : memref<64x128xf32, #tpu.memory_space<vmem>> -> memref<64x128xf32, #tpu.memory_space<vmem>>
      %dma_start3A_103 = arith.constant 0 : i32
      %dma_start3A_104 = tpu.memref_slice %arg8[%add3A_87, %dma_start3A_103] : memref<10240x128xf32, #tpu.memory_space<vmem_shared>> -> memref<64x128xf32, #tpu.memory_space<vmem_shared>>
      %dma_start3A_105 = arith.constant 0 : i32
      %dma_start3A_106 = arith.constant 0 : i32
      %dma_start3A_107 = tpu.memref_slice %arg9[%dma_start3A_105, %dma_start3A_106] : memref<64x128xf32, #tpu.memory_space<vmem>> -> memref<64x128xf32, #tpu.memory_space<vmem>>
      %dma_start3A_108 = arith.constant 0 : i32
      %dma_start3A_109 = tpu.memref_slice %arg8[%add3A_87, %dma_start3A_108] : memref<10240x128xf32, #tpu.memory_space<vmem_shared>> -> memref<64x128xf32, #tpu.memory_space<vmem_shared>>
      tpu.enqueue_dma source(%dma_start3A_109 : memref<64x128xf32, #tpu.memory_space<vmem_shared>>) target(%dma_start3A_107 : memref<64x128xf32, #tpu.memory_space<vmem>>) target_semaphore(%run_scoped3A : memref<!tpu.dma_semaphore, #tpu.memory_space<semaphore_mem>>)
      %dma_wait3A = arith.constant 0 : i32
      %dma_wait3A_110 = arith.constant 0 : i32
      %dma_wait3A_111 = tpu.memref_slice %arg9[%dma_wait3A, %dma_wait3A_110] : memref<64x128xf32, #tpu.memory_space<vmem>> -> memref<64x128xf32, #tpu.memory_space<vmem>>
      %dma_wait3A_112 = arith.constant 0 : i32
      %dma_wait3A_113 = tpu.memref_slice %arg8[%add3A_87, %dma_wait3A_112] : memref<10240x128xf32, #tpu.memory_space<vmem_shared>> -> memref<64x128xf32, #tpu.memory_space<vmem_shared>>
      %dma_wait3A_114 = arith.constant 0 : i32
      %dma_wait3A_115 = arith.constant 0 : i32
      %dma_wait3A_116 = tpu.memref_slice %arg9[%dma_wait3A_114, %dma_wait3A_115] : memref<64x128xf32, #tpu.memory_space<vmem>> -> memref<64x128xf32, #tpu.memory_space<vmem>>
      %dma_wait3A_117 = arith.constant 0 : i32
      %dma_wait3A_118 = tpu.memref_slice %arg8[%add3A_87, %dma_wait3A_117] : memref<10240x128xf32, #tpu.memory_space<vmem_shared>> -> memref<64x128xf32, #tpu.memory_space<vmem_shared>>
      tpu.wait_dma2 semaphore(%run_scoped3A : memref<!tpu.dma_semaphore, #tpu.memory_space<semaphore_mem>>) src(%dma_wait3A_118 : memref<64x128xf32, #tpu.memory_space<vmem_shared>>) dst(%dma_wait3A_116 : memref<64x128xf32, #tpu.memory_space<vmem>>)
      tpu.yield
    }) : () -> ()
    %mul3A_88 = arith.constant 10240 : i32
    %mul3A_89 = arith.muli %arg0, %mul3A_88 : i32
    %add3A_90 = arith.addi %mul3A_89, %add3A_87 : i32
    "tpu.region"() ({
      %run_scoped3A = tpu.sem_alloc : memref<!tpu.dma_semaphore, #tpu.memory_space<semaphore_mem>>
      %dma_start3A = arith.constant 0 : i32
      %dma_start3A_101 = arith.constant 0 : i32
      %dma_start3A_102 = tpu.memref_slice %arg9[%dma_start3A, %dma_start3A_101] : memref<64x128xf32, #tpu.memory_space<vmem>> -> memref<64x128xf32, #tpu.memory_space<vmem>>
      %dma_start3A_103 = arith.constant 0 : i32
      %dma_start3A_104 = tpu.memref_slice %arg6[%add3A_90, %dma_start3A_103] : memref<20480x128xf32, #tpu.memory_space<hbm>> -> memref<64x128xf32, #tpu.memory_space<hbm>>
      %dma_start3A_105 = arith.constant 0 : i32
      %dma_start3A_106 = tpu.memref_slice %arg6[%add3A_90, %dma_start3A_105] : memref<20480x128xf32, #tpu.memory_space<hbm>> -> memref<64x128xf32, #tpu.memory_space<hbm>>
      %dma_start3A_107 = arith.constant 0 : i32
      %dma_start3A_108 = arith.constant 0 : i32
      %dma_start3A_109 = tpu.memref_slice %arg9[%dma_start3A_107, %dma_start3A_108] : memref<64x128xf32, #tpu.memory_space<vmem>> -> memref<64x128xf32, #tpu.memory_space<vmem>>
      tpu.enqueue_dma source(%dma_start3A_109 : memref<64x128xf32, #tpu.memory_space<vmem>>) target(%dma_start3A_106 : memref<64x128xf32, #tpu.memory_space<hbm>>) target_semaphore(%run_scoped3A : memref<!tpu.dma_semaphore, #tpu.memory_space<semaphore_mem>>)
      %dma_wait3A = arith.constant 0 : i32
      %dma_wait3A_110 = arith.constant 0 : i32
      %dma_wait3A_111 = tpu.memref_slice %arg9[%dma_wait3A, %dma_wait3A_110] : memref<64x128xf32, #tpu.memory_space<vmem>> -> memref<64x128xf32, #tpu.memory_space<vmem>>
      %dma_wait3A_112 = arith.constant 0 : i32
      %dma_wait3A_113 = tpu.memref_slice %arg6[%add3A_90, %dma_wait3A_112] : memref<20480x128xf32, #tpu.memory_space<hbm>> -> memref<64x128xf32, #tpu.memory_space<hbm>>
      %dma_wait3A_114 = arith.constant 0 : i32
      %dma_wait3A_115 = tpu.memref_slice %arg6[%add3A_90, %dma_wait3A_114] : memref<20480x128xf32, #tpu.memory_space<hbm>> -> memref<64x128xf32, #tpu.memory_space<hbm>>
      %dma_wait3A_116 = arith.constant 0 : i32
      %dma_wait3A_117 = arith.constant 0 : i32
      %dma_wait3A_118 = tpu.memref_slice %arg9[%dma_wait3A_116, %dma_wait3A_117] : memref<64x128xf32, #tpu.memory_space<vmem>> -> memref<64x128xf32, #tpu.memory_space<vmem>>
      tpu.wait_dma2 semaphore(%run_scoped3A : memref<!tpu.dma_semaphore, #tpu.memory_space<semaphore_mem>>) src(%dma_wait3A_118 : memref<64x128xf32, #tpu.memory_space<vmem>>) dst(%dma_wait3A_115 : memref<64x128xf32, #tpu.memory_space<hbm>>)
      tpu.yield
    }) : () -> ()
    %add3A_91 = arith.constant 576 : i32
    %add3A_92 = arith.addi %mul3A_9, %add3A_91 : i32
    "tpu.region"() ({
      %run_scoped3A = tpu.sem_alloc : memref<!tpu.dma_semaphore, #tpu.memory_space<semaphore_mem>>
      %dma_start3A = arith.constant 0 : i32
      %dma_start3A_101 = arith.constant 0 : i32
      %dma_start3A_102 = tpu.memref_slice %arg9[%dma_start3A, %dma_start3A_101] : memref<64x128xf32, #tpu.memory_space<vmem>> -> memref<64x128xf32, #tpu.memory_space<vmem>>
      %dma_start3A_103 = arith.constant 0 : i32
      %dma_start3A_104 = tpu.memref_slice %arg8[%add3A_92, %dma_start3A_103] : memref<10240x128xf32, #tpu.memory_space<vmem_shared>> -> memref<64x128xf32, #tpu.memory_space<vmem_shared>>
      %dma_start3A_105 = arith.constant 0 : i32
      %dma_start3A_106 = arith.constant 0 : i32
      %dma_start3A_107 = tpu.memref_slice %arg9[%dma_start3A_105, %dma_start3A_106] : memref<64x128xf32, #tpu.memory_space<vmem>> -> memref<64x128xf32, #tpu.memory_space<vmem>>
      %dma_start3A_108 = arith.constant 0 : i32
      %dma_start3A_109 = tpu.memref_slice %arg8[%add3A_92, %dma_start3A_108] : memref<10240x128xf32, #tpu.memory_space<vmem_shared>> -> memref<64x128xf32, #tpu.memory_space<vmem_shared>>
      tpu.enqueue_dma source(%dma_start3A_109 : memref<64x128xf32, #tpu.memory_space<vmem_shared>>) target(%dma_start3A_107 : memref<64x128xf32, #tpu.memory_space<vmem>>) target_semaphore(%run_scoped3A : memref<!tpu.dma_semaphore, #tpu.memory_space<semaphore_mem>>)
      %dma_wait3A = arith.constant 0 : i32
      %dma_wait3A_110 = arith.constant 0 : i32
      %dma_wait3A_111 = tpu.memref_slice %arg9[%dma_wait3A, %dma_wait3A_110] : memref<64x128xf32, #tpu.memory_space<vmem>> -> memref<64x128xf32, #tpu.memory_space<vmem>>
      %dma_wait3A_112 = arith.constant 0 : i32
      %dma_wait3A_113 = tpu.memref_slice %arg8[%add3A_92, %dma_wait3A_112] : memref<10240x128xf32, #tpu.memory_space<vmem_shared>> -> memref<64x128xf32, #tpu.memory_space<vmem_shared>>
      %dma_wait3A_114 = arith.constant 0 : i32
      %dma_wait3A_115 = arith.constant 0 : i32
      %dma_wait3A_116 = tpu.memref_slice %arg9[%dma_wait3A_114, %dma_wait3A_115] : memref<64x128xf32, #tpu.memory_space<vmem>> -> memref<64x128xf32, #tpu.memory_space<vmem>>
      %dma_wait3A_117 = arith.constant 0 : i32
      %dma_wait3A_118 = tpu.memref_slice %arg8[%add3A_92, %dma_wait3A_117] : memref<10240x128xf32, #tpu.memory_space<vmem_shared>> -> memref<64x128xf32, #tpu.memory_space<vmem_shared>>
      tpu.wait_dma2 semaphore(%run_scoped3A : memref<!tpu.dma_semaphore, #tpu.memory_space<semaphore_mem>>) src(%dma_wait3A_118 : memref<64x128xf32, #tpu.memory_space<vmem_shared>>) dst(%dma_wait3A_116 : memref<64x128xf32, #tpu.memory_space<vmem>>)
      tpu.yield
    }) : () -> ()
    %mul3A_93 = arith.constant 10240 : i32
    %mul3A_94 = arith.muli %arg0, %mul3A_93 : i32
    %add3A_95 = arith.addi %mul3A_94, %add3A_92 : i32
    "tpu.region"() ({
      %run_scoped3A = tpu.sem_alloc : memref<!tpu.dma_semaphore, #tpu.memory_space<semaphore_mem>>
      %dma_start3A = arith.constant 0 : i32
      %dma_start3A_101 = arith.constant 0 : i32
      %dma_start3A_102 = tpu.memref_slice %arg9[%dma_start3A, %dma_start3A_101] : memref<64x128xf32, #tpu.memory_space<vmem>> -> memref<64x128xf32, #tpu.memory_space<vmem>>
      %dma_start3A_103 = arith.constant 0 : i32
      %dma_start3A_104 = tpu.memref_slice %arg6[%add3A_95, %dma_start3A_103] : memref<20480x128xf32, #tpu.memory_space<hbm>> -> memref<64x128xf32, #tpu.memory_space<hbm>>
      %dma_start3A_105 = arith.constant 0 : i32
      %dma_start3A_106 = tpu.memref_slice %arg6[%add3A_95, %dma_start3A_105] : memref<20480x128xf32, #tpu.memory_space<hbm>> -> memref<64x128xf32, #tpu.memory_space<hbm>>
      %dma_start3A_107 = arith.constant 0 : i32
      %dma_start3A_108 = arith.constant 0 : i32
      %dma_start3A_109 = tpu.memref_slice %arg9[%dma_start3A_107, %dma_start3A_108] : memref<64x128xf32, #tpu.memory_space<vmem>> -> memref<64x128xf32, #tpu.memory_space<vmem>>
      tpu.enqueue_dma source(%dma_start3A_109 : memref<64x128xf32, #tpu.memory_space<vmem>>) target(%dma_start3A_106 : memref<64x128xf32, #tpu.memory_space<hbm>>) target_semaphore(%run_scoped3A : memref<!tpu.dma_semaphore, #tpu.memory_space<semaphore_mem>>)
      %dma_wait3A = arith.constant 0 : i32
      %dma_wait3A_110 = arith.constant 0 : i32
      %dma_wait3A_111 = tpu.memref_slice %arg9[%dma_wait3A, %dma_wait3A_110] : memref<64x128xf32, #tpu.memory_space<vmem>> -> memref<64x128xf32, #tpu.memory_space<vmem>>
      %dma_wait3A_112 = arith.constant 0 : i32
      %dma_wait3A_113 = tpu.memref_slice %arg6[%add3A_95, %dma_wait3A_112] : memref<20480x128xf32, #tpu.memory_space<hbm>> -> memref<64x128xf32, #tpu.memory_space<hbm>>
      %dma_wait3A_114 = arith.constant 0 : i32
      %dma_wait3A_115 = tpu.memref_slice %arg6[%add3A_95, %dma_wait3A_114] : memref<20480x128xf32, #tpu.memory_space<hbm>> -> memref<64x128xf32, #tpu.memory_space<hbm>>
      %dma_wait3A_116 = arith.constant 0 : i32
      %dma_wait3A_117 = arith.constant 0 : i32
      %dma_wait3A_118 = tpu.memref_slice %arg9[%dma_wait3A_116, %dma_wait3A_117] : memref<64x128xf32, #tpu.memory_space<vmem>> -> memref<64x128xf32, #tpu.memory_space<vmem>>
      tpu.wait_dma2 semaphore(%run_scoped3A : memref<!tpu.dma_semaphore, #tpu.memory_space<semaphore_mem>>) src(%dma_wait3A_118 : memref<64x128xf32, #tpu.memory_space<vmem>>) dst(%dma_wait3A_115 : memref<64x128xf32, #tpu.memory_space<hbm>>)
      tpu.yield
    }) : () -> ()
    %mul3A_96 = arith.constant 16 : i32
    %mul3A_97 = arith.muli %arg0, %mul3A_96 : i32
    %add3A_98 = arith.addi %mul3A_97, %arg1 : i32
    %mul3A_99 = arith.constant 20480 : i32
    %mul3A_100 = arith.muli %add3A_98, %mul3A_99 : i32
    "tpu.region"() ({
      %run_scoped3A = tpu.sem_alloc : memref<!tpu.dma_semaphore, #tpu.memory_space<semaphore_mem>>
      %dma_start3A = tpu.memref_slice %arg7[%mul3A_100] : memref<655360xf32, #tpu.memory_space<hbm>> -> memref<20480xf32, #tpu.memory_space<hbm>>
      %dma_start3A_101 = tpu.memref_slice %arg7[%mul3A_100] : memref<655360xf32, #tpu.memory_space<hbm>> -> memref<20480xf32, #tpu.memory_space<hbm>>
      tpu.enqueue_dma source(%arg14 : memref<20480xf32, #tpu.memory_space<vmem>>) target(%dma_start3A_101 : memref<20480xf32, #tpu.memory_space<hbm>>) target_semaphore(%run_scoped3A : memref<!tpu.dma_semaphore, #tpu.memory_space<semaphore_mem>>)
      %dma_wait3A = tpu.memref_slice %arg7[%mul3A_100] : memref<655360xf32, #tpu.memory_space<hbm>> -> memref<20480xf32, #tpu.memory_space<hbm>>
      %dma_wait3A_102 = tpu.memref_slice %arg7[%mul3A_100] : memref<655360xf32, #tpu.memory_space<hbm>> -> memref<20480xf32, #tpu.memory_space<hbm>>
      tpu.wait_dma2 semaphore(%run_scoped3A : memref<!tpu.dma_semaphore, #tpu.memory_space<semaphore_mem>>) src(%arg14 : memref<20480xf32, #tpu.memory_space<vmem>>) dst(%dma_wait3A_102 : memref<20480xf32, #tpu.memory_space<hbm>>)
      tpu.yield
    }) : () -> ()
    return
  }
}

module attributes {stable_mosaic.version = 14 : i64} {
  func.func @_tc_body(%arg0: i32, %arg1: memref<400x256xf32, #tpu.memory_space<vmem>>, %arg2: memref<256x256xf32, #tpu.memory_space<vmem>>, %arg3: memref<256x128xf32, #tpu.memory_space<vmem>>, %arg4: memref<2x400x128xf32, #tpu.memory_space<vmem>>, %arg5: memref<400x128xf32, #tpu.memory_space<vmem>>) attributes {dimension_semantics = [#tpu.dimension_semantics<arbitrary>], iteration_bounds = array<i64: 25>, scalar_prefetch = 0 : i64, scratch_operands = 0 : i64, tpu.core_type = #tpu.core_type<tc>, window_params = [{transform_indices = @transform_0, window_bounds = array<i64: 400, 256>}, {pipeline_mode = #tpu.pipeline_mode<synchronous>, transform_indices = @transform_1, window_bounds = array<i64: 256, 256>}, {pipeline_mode = #tpu.pipeline_mode<synchronous>, transform_indices = @transform_2, window_bounds = array<i64: 256, 128>}, {transform_indices = @transform_3, window_bounds = array<i64: 2, 400, 128>}, {transform_indices = @transform_4, window_bounds = array<i64: 400, 128>}]} {
    %get3A = arith.constant 0 : index
    %get3A_0 = arith.constant 0 : index
    %get3A_1 = vector.load %arg1[%get3A, %get3A_0] : memref<400x256xf32, #tpu.memory_space<vmem>>, vector<400x256xf32>
    %get3A_2 = arith.constant 0 : index
    %get3A_3 = arith.constant 0 : index
    %get3A_4 = vector.load %arg2[%get3A_2, %get3A_3] : memref<256x256xf32, #tpu.memory_space<vmem>>, vector<256x256xf32>
    %dot_general3A = arith.constant dense<0.000000e+00> : vector<400x256xf32>
    %dot_general3A_5 = tpu.matmul %get3A_1, %get3A_4, %dot_general3A {dimension_numbers = #tpu.dot_dimension_numbers<[1], [0], [0], [1], [0, 0, 1, 1], [], []>, transpose_lhs_hint = false} : vector<400x256xf32>, vector<256x256xf32>, vector<400x256xf32> -> vector<400x256xf32>
    %slice3A = vector.extract_strided_slice %dot_general3A_5 {offsets = [0, 0], sizes = [400, 128], strides = [1, 1]} : vector<400x256xf32> to vector<400x128xf32>
    %swap3A = arith.constant 0 : index
    %swap3A_6 = arith.constant 0 : index
    %swap3A_7 = arith.constant 0 : index
    %swap3A_8 = vector.load %arg4[%swap3A, %swap3A_6, %swap3A_7] : memref<2x400x128xf32, #tpu.memory_space<vmem>>, vector<1x400x128xf32>
    %swap3A_9 = vector.shape_cast %swap3A_8 : vector<1x400x128xf32> to vector<400x128xf32>
    %swap3A_10 = vector.shape_cast %slice3A : vector<400x128xf32> to vector<1x400x128xf32>
    tpu.vector_store %arg4[%swap3A, %swap3A_6, %swap3A_7], %swap3A_10 {strides = array<i32>} : memref<2x400x128xf32, #tpu.memory_space<vmem>>, vector<1x400x128xf32>,
    %slice3A_11 = vector.extract_strided_slice %dot_general3A_5 {offsets = [0, 128], sizes = [400, 128], strides = [1, 1]} : vector<400x256xf32> to vector<400x128xf32>
    %swap3A_12 = arith.constant 1 : index
    %swap3A_13 = arith.constant 0 : index
    %swap3A_14 = arith.constant 0 : index
    %swap3A_15 = vector.load %arg4[%swap3A_12, %swap3A_13, %swap3A_14] : memref<2x400x128xf32, #tpu.memory_space<vmem>>, vector<1x400x128xf32>
    %swap3A_16 = vector.shape_cast %swap3A_15 : vector<1x400x128xf32> to vector<400x128xf32>
    %swap3A_17 = vector.shape_cast %slice3A_11 : vector<400x128xf32> to vector<1x400x128xf32>
    tpu.vector_store %arg4[%swap3A_12, %swap3A_13, %swap3A_14], %swap3A_17 {strides = array<i32>} : memref<2x400x128xf32, #tpu.memory_space<vmem>>, vector<1x400x128xf32>,
    %get3A_18 = arith.constant 0 : index
    %get3A_19 = arith.constant 0 : index
    %get3A_20 = vector.load %arg3[%get3A_18, %get3A_19] : memref<256x128xf32, #tpu.memory_space<vmem>>, vector<256x128xf32>
    %dot_general3A_21 = arith.constant dense<0.000000e+00> : vector<400x128xf32>
    %dot_general3A_22 = tpu.matmul %dot_general3A_5, %get3A_20, %dot_general3A_21 {dimension_numbers = #tpu.dot_dimension_numbers<[1], [0], [0], [1], [0, 0, 1, 1], [], []>, transpose_lhs_hint = false} : vector<400x256xf32>, vector<256x128xf32>, vector<400x128xf32> -> vector<400x128xf32>
    %swap3A_23 = arith.constant 0 : index
    %swap3A_24 = arith.constant 0 : index
    %swap3A_25 = vector.load %arg5[%swap3A_23, %swap3A_24] : memref<400x128xf32, #tpu.memory_space<vmem>>, vector<400x128xf32>
    tpu.vector_store %arg5[%swap3A_23, %swap3A_24], %dot_general3A_22 {strides = array<i32>} : memref<400x128xf32, #tpu.memory_space<vmem>>, vector<400x128xf32>,
    return
  }
  func.func @transform_0(%arg0: i32) -> (i32, i32) {
    %c0_i32 = arith.constant 0 : i32
    %c0_i32_0 = arith.constant 0 : i32
    return %arg0, %c0_i32 : i32, i32
  }
  func.func @transform_1(%arg0: i32) -> (i32, i32) {
    %c0_i32 = arith.constant 0 : i32
    %c0_i32_0 = arith.constant 0 : i32
    %c0_i32_1 = arith.constant 0 : i32
    return %c0_i32, %c0_i32_0 : i32, i32
  }
  func.func @transform_2(%arg0: i32) -> (i32, i32) {
    %c0_i32 = arith.constant 0 : i32
    %c0_i32_0 = arith.constant 0 : i32
    %c0_i32_1 = arith.constant 0 : i32
    return %c0_i32, %c0_i32_0 : i32, i32
  }
  func.func @transform_3(%arg0: i32) -> (i32, i32, i32) {
    %c0_i32 = arith.constant 0 : i32
    %c0_i32_0 = arith.constant 0 : i32
    %c0_i32_1 = arith.constant 0 : i32
    return %c0_i32, %arg0, %c0_i32_0 : i32, i32, i32
  }
  func.func @transform_4(%arg0: i32) -> (i32, i32) {
    %c0_i32 = arith.constant 0 : i32
    %c0_i32_0 = arith.constant 0 : i32
    return %arg0, %c0_i32 : i32, i32
  }
}

module attributes {stable_mosaic.version = 14 : i64} {
  func.func @_tc_norm_body(%arg0: i32, %arg1: memref<400x256xf32, #tpu.memory_space<vmem>>, %arg2: memref<400x128xf32, #tpu.memory_space<vmem>>, %arg3: memref<1x256xf32, #tpu.memory_space<vmem>>, %arg4: memref<400x256xf32, #tpu.memory_space<vmem>>) attributes {dimension_semantics = [#tpu.dimension_semantics<arbitrary>], iteration_bounds = array<i64: 25>, scalar_prefetch = 0 : i64, scratch_operands = 0 : i64, tpu.core_type = #tpu.core_type<tc>, window_params = [{transform_indices = @transform_0, window_bounds = array<i64: 400, 256>}, {transform_indices = @transform_1, window_bounds = array<i64: 400, 128>}, {pipeline_mode = #tpu.pipeline_mode<synchronous>, transform_indices = @transform_2, window_bounds = array<i64: 1, 256>}, {transform_indices = @transform_3, window_bounds = array<i64: 400, 256>}]} {
    %get3A = arith.constant 0 : index
    %get3A_0 = arith.constant 0 : index
    %get3A_1 = vector.load %arg2[%get3A, %get3A_0] : memref<400x128xf32, #tpu.memory_space<vmem>>, vector<400x128xf32>
    %slice3A = vector.extract_strided_slice %get3A_1 {offsets = [0, 0], sizes = [400, 4], strides = [1, 1]} : vector<400x128xf32> to vector<400x4xf32>
    %add3A = arith.constant 1.000000e-16 : f32
    %add3A_2 = vector.broadcast %add3A : f32 to vector<400x4xf32>
    %add3A_3 = arith.addf %slice3A, %add3A_2 : vector<400x4xf32>
    %div3A = arith.constant 1.000000e+00 : f32
    %div3A_4 = vector.broadcast %div3A : f32 to vector<400x4xf32>
    %div3A_5 = arith.divf %div3A_4, %add3A_3 : vector<400x4xf32>
    %broadcast_in_dim3A = vector.shape_cast %div3A_5 : vector<400x4xf32> to vector<400x4x1xf32>
    %broadcast_in_dim3A_6 = vector.shape_cast %broadcast_in_dim3A : vector<400x4x1xf32> to vector<400x4x1xf32>
    %broadcast_in_dim3A_7 = vector.broadcast %broadcast_in_dim3A_6 : vector<400x4x1xf32> to vector<400x4x64xf32>
    %get3A_8 = arith.constant 0 : index
    %get3A_9 = arith.constant 0 : index
    %get3A_10 = vector.load %arg1[%get3A_8, %get3A_9] : memref<400x256xf32, #tpu.memory_space<vmem>>, vector<400x256xf32>
    %reshape3A = vector.shape_cast %broadcast_in_dim3A_7 : vector<400x4x64xf32> to vector<400x256xf32>
    %mul3A = arith.mulf %get3A_10, %reshape3A : vector<400x256xf32>
    %get3A_11 = arith.constant 0 : index
    %get3A_12 = arith.constant 0 : index
    %get3A_13 = vector.load %arg3[%get3A_11, %get3A_12] : memref<1x256xf32, #tpu.memory_space<vmem>>, vector<1x256xf32>
    %add3A_14 = vector.broadcast %get3A_13 : vector<1x256xf32> to vector<400x256xf32>
    %add3A_15 = arith.addf %mul3A, %add3A_14 : vector<400x256xf32>
    %swap3A = arith.constant 0 : index
    %swap3A_16 = arith.constant 0 : index
    %swap3A_17 = vector.load %arg4[%swap3A, %swap3A_16] : memref<400x256xf32, #tpu.memory_space<vmem>>, vector<400x256xf32>
    tpu.vector_store %arg4[%swap3A, %swap3A_16], %add3A_15 {strides = array<i32>} : memref<400x256xf32, #tpu.memory_space<vmem>>, vector<400x256xf32>,
    return
  }
  func.func @transform_0(%arg0: i32) -> (i32, i32) {
    %c0_i32 = arith.constant 0 : i32
    %c0_i32_0 = arith.constant 0 : i32
    return %arg0, %c0_i32 : i32, i32
  }
  func.func @transform_1(%arg0: i32) -> (i32, i32) {
    %c0_i32 = arith.constant 0 : i32
    %c0_i32_0 = arith.constant 0 : i32
    return %arg0, %c0_i32 : i32, i32
  }
  func.func @transform_2(%arg0: i32) -> (i32, i32) {
    %c0_i32 = arith.constant 0 : i32
    %c0_i32_0 = arith.constant 0 : i32
    %c0_i32_1 = arith.constant 0 : i32
    return %c0_i32, %c0_i32_0 : i32, i32
  }
  func.func @transform_3(%arg0: i32) -> (i32, i32) {
    %c0_i32 = arith.constant 0 : i32
    %c0_i32_0 = arith.constant 0 : i32
    return %arg0, %c0_i32 : i32, i32
  }
}

</mosaic_0001>

<sc_bundles>
// kernel: kernel.5.cloned.1.call-start
scs
__scs_entry_jumppad:
0x0: {  	(pc) =	sbr.rel $0x88, $3  }
0x1: {  	(tag) =	ssettag $0x0;
	lr =	simm.s32 $0x1  }
0x2: {  	[smem:$0x3F9C] =	sst lr;
	_ =	strace $0xD0000000  }
0x3: {  	_ = 	snop  }
0x4: {  	_ = 	snop  }
0x5: {  	_ = 	snop  }
0x6: {  	_ = 	snop  }
0x7: {  	_ = 	snop  }
__scs_overlays_trampoline_lowered:
0x8: {  	[smem:$0x3FAB] =	sst s0  }
0x9: {  	[smem:$0x3FAC] =	sst s1  }
0xa: {  	[smem:$0x3FAD] =	sst s2  }
0xb: {  	[smem:$0x3FAE] =	sst s3  }
0xc: {  	[smem:$0x3FAF] =	sst s4  }
0xd: {  	[smem:$0x3FB0] =	sst s5  }
0xe: {  	[smem:$0x3FB1] =	sst s6  }
0xf: {  	[smem:$0x3FB2] =	sst s7  }
0x10: {  	[smem:$0x3FB3] =	sst s8  }
0x11: {  	[smem:$0x3FB4] =	sst s9;
	s0 =	simm.s32 @!p0 $0x0  }
0x12: {  	s1 =	sld [smem:$0x3F9A];
	s0 =	simm.s32 @p0 $0x1  }
0x13: {  	[smem:$0x3FB5] =	sst s0;
	s0 =	simm.s32 @!p1 $0x0  }
0x14: {  	s2 =	sld [smem:$0x3F99];
	s0 =	simm.s32 @p1 $0x1  }
0x15: {  	[smem:$0x3FB6] =	sst s0;
	s0 =	simm.s32 @!p2 $0x0  }
0x16: {  	s3 =	sld [smem:$0x3FDB];
	s0 =	simm.s32 @p2 $0x1  }
0x17: {  	s4 =	simm.s32 $0x1BF5;
	[smem:$0x3FB8] =	sst s0  }
0x18: {  	s0 =	sld [smem:$0x3F9B];
	_ =	swait.ge [sflag:s4], $0x0  }
0x19: {  	s7 =	sld [smem:$0x3F9C]  }
0x1a: {  	s8 =	sadd.s32 $0xFFFFE003, lr  }
0x1b: {  	s9 =	sadd.s32 $0xFFFFFEF7, lr;
	s5 =	simm.s32 $0xFFFFFFFF;
	p2 =	slt.u32 s8, $0xFFFFF086  }
0x1c: {  	p1 =	slt.u32 s9, $0xF7A;
	s5 =	simm.s32 @!p2 $0x0  }
0x1d: {  	s5 =	simm.s32 @p1 $0x1;
	p0 =	seq.s32 s7, s2  }
0x1e: {  	s7 =	smul.u32 @!p0 $0xF7A, s2;
	p2 =	seq.s32 @!p0 s5, $0x0  }
0x1f: {  	s9 =	smul.u32 $0xF7A, s1;
	s8 =	simm.s32 @!p0 $0x1BF5;
	p2 =	por !p2, p0  }
0x20: {  	[sflag:s8] =	ssyncset.s32 @!p0 $0xFFFFF086;
	s6 =	sadd.s32 @!p0 s3, s7;
	s7 =	simm.s32 @!p0 $0x108  }
0x21: {  	s3 =	sadd.s32 s3, s9;
	s6 =	sadd.s32 @!p0 $0x88, s6;
	s7 =	simm.s32 @p2 $0x1082  }
0x22: {  	[simem:s7], [sflag:s8] =	dma.local @!p0 [hbm:s6], $0xF7A  }
0x23: {  	s9 =	sor.u32 $0xD0000000, s2;
	s6 =	simm.s32 $0x108;
	_ =	swait.ge @!p0 [sflag:s8], $0x0  }
0x24: {  	s3 =	sadd.s32 $0x88, s3;
	s6 =	simm.s32 @!p1 $0x1082;
	[sflag:s4] =	ssyncset.s32 $0xFFFFF086  }
0x25: {  	[simem:s6], [sflag:s4] =	dma.local [hbm:s3], $0xF7A  }
0x26: {  	[smem:$0x3F9C] =	sst s1;
	(tag) =	ssettag s2;
	_ =	strace s9  }
0x27: {  	s1 =	sld [smem:$0x3FAC]  }
0x28: {  	s2 =	sld [smem:$0x3FAD]  }
0x29: {  	s4 =	sld [smem:$0x3FAF]  }
0x2a: {  	p0 =	seq.s32 s5, $0x0;
	s5 =	sld [smem:$0x3FB0]  }
0x2b: {  	s6 =	sld [smem:$0x3FB1]  }
0x2c: {  	s7 =	sld [smem:$0x3FB2]  }
0x2d: {  	s3 =	simm.s32 $0x108;
	s8 =	sld [smem:$0x3FB3]  }
0x2e: {  	s3 =	simm.s32 @!p0 $0x1082;
	s9 =	sld [smem:$0x3FB4]  }
0x2f: {  	lr =	sadd.s32 s0, s3;
	s0 =	sld [smem:$0x3FAB]  }
0x30: {  	s3 =	sld [smem:$0x3FAE]  }
0x31: {  	[smem:$0x3FB7] =	sst s10  }
0x32: {  	s10 =	sld [smem:$0x3FB5];
	_ =	sdelay $0x3  }
0x33: {  	p0 =	seq.s32 s10, $0x1;
	s10 =	sld [smem:$0x3FB7];
	_ =	sdelay $0x3  }
0x34: {  	[smem:$0x3FB7] =	sst s10  }
0x35: {  	s10 =	sld [smem:$0x3FB6];
	_ =	sdelay $0x3  }
0x36: {  	p1 =	seq.s32 s10, $0x1;
	s10 =	sld [smem:$0x3FB7];
	_ =	sdelay $0x3  }
0x37: {  	[smem:$0x3FB7] =	sst s10  }
0x38: {  	s10 =	sld [smem:$0x3FB8]  }
0x39: {  	_ = 	snop;
	(pc) =	sbr.ind lr, $3  }
0x3a: {  	_ = 	snop  }
0x3b: {  	_ = 	snop  }
0x3c: {  	p2 =	seq.s32 s10, $0x1;
	s10 =	sld [smem:$0x3FB7]  }
0x3d: {  	_ =	shalt  }
0x3e: {  	_ =	shalt  }
0x3f: {  	_ =	shalt  }
0x40: {  	_ =	shalt  }
0x41: {  	_ =	shalt  }
0x42: {  	_ =	shalt  }
0x43: {  	_ =	shalt  }
0x44: {  	_ =	shalt  }
0x45: {  	_ =	shalt  }
0x46: {  	_ =	shalt  }
0x47: {  	_ =	shalt  }
0x48: {  	_ =	shalt  }
0x49: {  	_ =	shalt  }
0x4a: {  	_ =	shalt  }
0x4b: {  	_ =	shalt  }
0x4c: {  	_ =	shalt  }
0x4d: {  	_ =	shalt  }
0x4e: {  	_ =	shalt  }
0x4f: {  	_ =	shalt  }
0x50: {  	_ =	shalt  }
0x51: {  	_ =	shalt  }
0x52: {  	_ =	shalt  }
0x53: {  	_ =	shalt  }
0x54: {  	_ =	shalt  }
0x55: {  	_ =	shalt  }
0x56: {  	_ =	shalt  }
0x57: {  	_ =	shalt  }
0x58: {  	_ =	shalt  }
0x59: {  	_ =	shalt  }
0x5a: {  	_ =	shalt  }
0x5b: {  	_ =	shalt  }
0x5c: {  	_ =	shalt  }
0x5d: {  	_ =	shalt  }
0x5e: {  	_ =	shalt  }
0x5f: {  	_ =	shalt  }
0x60: {  	_ =	shalt  }
0x61: {  	_ =	shalt  }
0x62: {  	_ =	shalt  }
0x63: {  	_ =	shalt  }
0x64: {  	_ =	shalt  }
0x65: {  	_ =	shalt  }
0x66: {  	_ =	shalt  }
0x67: {  	_ =	shalt  }
0x68: {  	_ =	shalt  }
0x69: {  	_ =	shalt  }
0x6a: {  	_ =	shalt  }
0x6b: {  	_ =	shalt  }
0x6c: {  	_ =	shalt  }
0x6d: {  	_ =	shalt  }
0x6e: {  	_ =	shalt  }
0x6f: {  	_ =	shalt  }
0x70: {  	_ =	shalt  }
0x71: {  	_ =	shalt  }
0x72: {  	_ =	shalt  }
0x73: {  	_ =	shalt  }
0x74: {  	_ =	shalt  }
0x75: {  	_ =	shalt  }
0x76: {  	_ =	shalt  }
0x77: {  	_ =	shalt  }
0x78: {  	_ =	shalt  }
0x79: {  	_ =	shalt  }
0x7a: {  	_ =	shalt  }
0x7b: {  	_ =	shalt  }
0x7c: {  	_ =	shalt  }
0x7d: {  	_ =	shalt  }
0x7e: {  	_ =	shalt  }
0x7f: {  	_ =	shalt  }
0x80: {  	_ =	shalt  }
0x81: {  	_ =	shalt  }
0x82: {  	_ =	shalt  }
0x83: {  	_ =	shalt  }
0x84: {  	_ =	shalt  }
0x85: {  	_ =	shalt  }
0x86: {  	_ =	shalt  }
0x87: {  	_ =	shalt  }
.Lfunc_end0:
.L_simem_size_0:
called_computation_lowered:
.L_overlay_start_0:
0x88: {  	s2 =	sld [smem:$0x3FD9]  }
0x89: {  	s3 =	sld [smem:$0x3FFE];
	_ =	sdelay $0x1  }
0x8a: {  	s1 =	srdreg.scid  }
0x8b: {  	s0 =	sand.u32 $0x1, s1  }
0x8c: {  	s17 =	sshll.u32 s0, $0xA;
	s2 =	sadd.s32 s3, s2  }
0x8d: {  	s2 =	sadd.s32 s2, s17  }
0x8e: {  	[smem:$0x3FC3] =	sst s2  }
0x8f: {  	_ = 	snop  }
0x90: {  	s2 =	sld [smem:$0x3FD0];
	(tm) =	ssettm $0x1  }
0x91: {  	s18 =	sld [smem:$0x3FFB];
	_ =	sdelay $0x3  }
0x92: {  	_ =	strace s18  }
0x93: {  	s3 =	sld [smem:$0x3FFC];
	_ =	sdelay $0x3  }
0x94: {  	_ =	strace s3  }
0x95: {  	s3 =	sld [smem:$0x3FFD];
	_ =	sdelay $0x3  }
0x96: {  	_ =	strace s3  }
0x97: {  	_ =	strace $0x8FFFFFFF  }
0x98: {  	s19 =	sld [smem:$0x3FDB];
	_ =	sdelay $0x1  }
0x99: {  	s4 =	simm.s32 $_scs_section_size  }
0x9a: {  	s5 =	simm.s32 $_size__tile_overlayer_lowered;
	s6 =	simm.s32 $_tile_overlayer_lowered  }
0x9b: {  	s22 =	simm.s32 $0x1BFF;
	s21 =	sshll.u32 s6, $0x1;
	s3 =	sadd.s32 s4, s19  }
0x9c: {  	s7 =	simm.s32 $0x0;
	s20 =	sshll.u32 s5, $0x1;
	s5 =	sadd.s32 s21, s3  }
0x9d: {  	[timem:s7], [sflag:s22] =	dma.local [hbm:s5], s20  }
0x9e: {  	_ =	swait.ge [sflag:s22], s20  }
0x9f: {  	s4 =	ssub.s32 $0x0, s20;
	[sflag:s22] =	ssyncset.done $0x0  }
0xa0: {  	[sflag:s22] =	ssyncadd.s32 s4;
	_ =	sdelay $0x1  }
0xa1: {  	s23 =	simm.s32 $0x1B8B  }
0xa2: {  	_ =	swait.ge [sflag:s23], $0x1  }
0xa3: {  	[sflag:s23] =	ssyncset.done $0x0  }
0xa4: {  	s25 =	simm.s32 $0x1B8E;
	s24 =	sld [smem:$0x3FFE];
	[sflag:s23] =	ssyncadd.s32 $0xFFFFFFFF  }
0xa5: {  	s26 =	simm.s32 $execute0_lowered;
	[smem:$0x3FD2] =	sst s25  }
0xa6: {  	s5 =	sshll.u32 s26, $0x1;
	_ =	strace $0x80000046;
	[dreg:$0x1] =	wrdreg $0xFFFFFFFF  }
0xa7: {  	s28 =	simm.s32 $_size_execute0_lowered;
	s3 =	sadd.s32 s3, s5;
	[dreg:$0x0] =	wrdreg $0x0  }
0xa8: {  	s5 =	sshll.u32 s28, $0x1;
	[dreg:$0x2] =	wrdreg s3  }
0xa9: {  	[dreg:$0x3] =	wrdreg s5  }
0xaa: {  	[dreg:$0x4] =	wrdreg $0xC0  }
0xab: {  	_ =	task [dreg:s7], $0x5FFFF  }
0xac: {  	[dreg:$0x1] =	wrdreg $0xFFFFFFFF  }
0xad: {  	[dreg:$0x0] =	wrdreg $0x60  }
0xae: {  	[dreg:$0x2] =	wrdreg s2  }
0xaf: {  	[dreg:$0x3] =	wrdreg s24  }
0xb0: {  	[dreg:$0x4] =	wrdreg $0x0  }
0xb1: {  	[dreg:$0x5] =	wrdreg $0x9  }
0xb2: {  	_ =	task.clear_ibuf [dreg:s7], $0x6FFFF;
	_ =	strace $0x90000046  }
0xb3: {  	s29 =	simm.s32 $0x9;
	_ =	strace $0x80000048  }
0xb4: {  	_ =	swait.ge [sflag:s29], $0x1  }
0xb5: {  	[sflag:s29] =	ssyncadd.s32 $0xFFFFFFFF  }
0xb6: {  	_ =	strace $0x90000048  }
0xb7: {  	_ =	sfence  }
0xb8: {  	s30 =	sld [smem:$0x0];
	_ =	sdelay $0x2  }
0xb9: {  	s31 =	sshll.u32 s1, $0xD;
	s1 =	sshrl.u32 s1, $0x2  }
0xba: {  	s3 =	sand.u32 $0x4000, s31;
	s1 =	sadd.s32 s1, s30  }
0xbb: {  	s0 =	sor.u32 s3, s0;
	s1 =	sshll.u32 s1, $0x11  }
0xbc: {  	s0 =	sor.u32 s1, s0  }
0xbd: {  	s0 =	sadd.s32 $0x8F2B, s0  }
0xbe: {  	[sflag:s0] =	ssyncadd.remote.s32 $0x1  }
0xbf: {  	_ =	sfence.sel $0xFFFF  }
0xc0: {  	[dreg:$0x0] =	wrdreg $0xFFFFFFFF;
	(pc) =	sbr.abs _section_cstart, $3  }
0xc1: {  	[dreg:$0x1] =	wrdreg $0xFFFFFFFF  }
0xc2: {  	_ =	task.clear_ibuf [dreg:s7], $0x2FFFF;
	_ =	strace $0x9FFFFFFF  }
0xc3: {  	(tm) =	ssettm $0x7FFFFFFF  }
tec
execute0_lowered:
.L_overlay_start_1:
0x0: {  	(tag) =	ssettag $0x1  }
0x1: {  	s0 =	srdreg.scid  }
0x2: {  	s3 =	rddreg [dreg:$0x1];
	s1 =	simm.s32 $0x0;
	s20 =	stileid.u32  }
0x3: {  	s0 =	sand.u32 $0x1, s0;
	[smem:$0x7FF] =	sst s1;
	s5 =	smul.u32 $0x280, s20  }
0x4: {  	s6 =	sadd.s32 $0x59000, s3;
	s2 =	sshll.u32 s0, $0x4;
	s4 =	ssub.s32 $0x2, s0  }
0x5: {  	s11 =	smul.u32 $0x2800, s0;
	s2 =	sor.u32 s20, s2;
	s14 =	sshrl.u32 s4, $0x1  }
0x6: {  	s8 =	sadd.s32 $0x80, s5;
	s9 =	sadd.s32 $0xC0, s5;
	s10 =	sadd.s32 $0x100, s5  }
0x7: {  	s12 =	sadd.s32 $0x140, s5;
	s18 =	sadd.s32 $0x1C0, s5;
	s19 =	sadd.s32 $0x200, s5  }
0x8: {  	s7 =	smul.u32 $0xA00, s2;
	s2 =	ssub.s32 s4, s14;
	s4 =	sor.u32 $0x40, s5  }
0x9: {  	s14 =	sadd.s32 $0x180, s5;
	s13 =	sadd.s32 s5, s11;
	s5 =	sadd.s32 $0x240, s5  }
0xa: {  	s16 =	sadd.s32 s11, s8;
	s17 =	sadd.s32 s11, s9;
	s24 =	sadd.s32 s11, s12  }
0xb: {  	s26 =	sadd.s32 s11, s18;
	s18 =	sshll.u32 s18, $0x7;
	s15 =	sadd.s32 s11, s4  }
0xc: {  	s13 =	sshll.u32 s13, $0x4;
	s21 =	sshll.u32 s17, $0x4;
	s25 =	sadd.s32 s11, s14  }
0xd: {  	s4 =	sshll.u32 s4, $0x7;
	s14 =	sshll.u32 s14, $0x7;
	s15 =	sshll.u32 s15, $0x4  }
0xe: {  	s13 =	sadd.s32 s6, s13;
	s17 =	sshll.u32 s25, $0x4;
	s25 =	smul.u32 $0x50000, s20  }
0xf: {  	s7 =	sadd.s32 s7, s3;
	[dreg:$0x4] =	wrdreg s13;
	s15 =	sadd.s32 s6, s15  }
0x10: {  	s13 =	sshll.u32 s16, $0x4;
	s16 =	sadd.s32 s11, s10;
	[dreg:$0x5] =	wrdreg s15  }
0x11: {  	s13 =	sadd.s32 s6, s13;
	s22 =	sshll.u32 s16, $0x4;
	s16 =	sadd.s32 $0x4F000, s3  }
0x12: {  	[dreg:$0x6] =	wrdreg s13;
	s13 =	sadd.s32 s6, s21;
	s23 =	sadd.s32 s6, s22  }
0x13: {  	s21 =	sshll.u32 s26, $0x4;
	s26 =	sshrl.u32 s25, $0x2;
	[dreg:$0x7] =	wrdreg s13  }
0x14: {  	[dreg:$0x8] =	wrdreg s23;
	s13 =	sshll.u32 s24, $0x4;
	s22 =	sadd.s32 s6, s21  }
0x15: {  	s23 =	sadd.s32 s11, s19;
	s24 =	sadd.s32 s11, s5;
	s11 =	rddreg [dreg:$0x0]  }
0x16: {  	s25 =	sadd.s32 $0xA9000, s7;
	s13 =	sadd.s32 s6, s13;
	[dreg:$0xb] =	wrdreg s22  }
0x17: {  	s7 =	simm.s32 $0x1A100;
	[dreg:$0x9] =	wrdreg s13;
	s13 =	sadd.s32 s6, s17  }
0x18: {  	s19 =	sshll.u32 s19, $0x7;
	[dreg:$0xa] =	wrdreg s13;
	s13 =	sshll.u32 s23, $0x4  }
0x19: {  	s15 =	sshll.u32 s24, $0x4;
	s24 =	smul.u32 $0x2710, s0;
	s13 =	sadd.s32 s6, s13  }
0x1a: {  	s0 =	simm.s32 $0x2;
	s17 =	sadd.s32 $0x54000, s3;
	[dreg:$0xc] =	wrdreg s13  }
0x1b: {  	s23 =	sshll.u32 s5, $0x7;
	s6 =	sadd.s32 s6, s15;
	s13 =	rddreg [dreg:$0x2]  }
0x1c: {  	s5 =	simm.s32 $0x18000;
	s15 =	sadd.s32 $0xE00, s3;
	[dreg:$0xd] =	wrdreg s6  }
0x1d: {  	s6 =	sshll.u32 s8, $0x7;
	s8 =	sshll.u32 s9, $0x7;
	s9 =	sshll.u32 s10, $0x7  }
0x1e: {  	s10 =	sshll.u32 s12, $0x7;
	_ =	strace $0x80000047;
	s21 =	sadd.s32 s26, s13  }
0x1f: {  	s29 =	sadd.s32 s4, s13;
	s30 =	sadd.s32 s6, s13;
	s31 =	sadd.s32 s8, s13  }
0x20: {  	s3 =	sadd.s32 s9, s13;
	s12 =	sadd.s32 s10, s13;
	s18 =	sadd.s32 s18, s13  }
0x21: {  	s22 =	sadd.s32 s19, s13;
	s28 =	sadd.s32 s23, s13;
	[dreg:$0x12] =	wrdreg s25  }
0x22: {  	s26 =	smax.u32 s2, $0x1;
	s19 =	smul.u32 $0x2800, s20;
	[dreg:$0xe] =	wrdreg s3  }
0x23: {  	s10 =	simm.s32 $0x14000;
	s2 =	simm.s32 $0x1A000;
	[dreg:$0xf] =	wrdreg s12  }
0x24: {  	s4 =	simm.s32 $0x16000;
	s6 =	simm.s32 $0x1;
	[dreg:$0x11] =	wrdreg s22  }
0x25: {  	s8 =	simm.s32 $0x1A080;
	s3 =	sadd.s32 s14, s13;
	[dreg:$0x13] =	wrdreg s26  }
0x26: {  	v1 =	vimm.f32 $0.0e+00;
	v0 =	vmov s24;
	s9 =	simm.s32 $0x0;
	[dreg:$0x10] =	wrdreg s3;
	s3 =	simm.s32 $0x40  }
.LBB2_1:
0x27: {  	s12 =	simm.s32 $0x0;
	s14 =	simm.s32 $0x200  }
.LBB2_2:
0x28: {  	p0 =	sne.s32 s14, $0x7E00;
	[tilespmem:s12+$0x14070] =	vst v1  }
0x29: {  	[tilespmem:s12+$0x14000] =	vst v1  }
0x2a: {  	[tilespmem:s12+$0x14010] =	vst v1  }
.Ltmp0:
0x2b: {  	[tilespmem:s12+$0x14020] =	vst v1;
	(pc) =	sbr.rel @p0 .LBB2_2-.Ltmp0, $4  }
0x2c: {  	[tilespmem:s12+$0x14030] =	vst v1  }
0x2d: {  	[tilespmem:s12+$0x14040] =	vst v1  }
0x2e: {  	[tilespmem:s12+$0x14050] =	vst v1  }
0x2f: {  	[tilespmem:s12+$0x14060] =	vst v1;
	s12 =	sshra.s32 s14, $0x2;
	s14 =	sadd.s32 $0x200, s14  }
0x30: {  	[tilespmem:s12+$0x14070] =	vst v1  }
0x31: {  	[tilespmem:s12+$0x14000] =	vst v1  }
0x32: {  	[tilespmem:s12+$0x14010] =	vst v1  }
0x33: {  	[tilespmem:s12+$0x14020] =	vst v1  }
0x34: {  	[tilespmem:s12+$0x14030] =	vst v1  }
0x35: {  	[tilespmem:s12+$0x14040] =	vst v1  }
0x36: {  	[tilespmem:s12+$0x14050] =	vst v1  }
0x37: {  	[tilespmem:s12+$0x14060] =	vst v1  }
0x38: {  	[spmem:s21] =	stream.linear.scatter [tilespmem:s10], [sflag:$0x2], $0x2000, $0x38;
	[tilespmem:$0x1F100] =	vst v63  }
0x39: {  	_ =	swait.ge [sflag:s0], $0x2000  }
0x3a: {  	[sflag:s0] =	ssyncset.done $0x0  }
0x3b: {  	[sflag:s0] =	ssyncadd.s32 $0xFFFFE000  }
0x3c: {  	[spmem:s29] =	stream.linear.scatter [tilespmem:s10], [sflag:$0x2], $0x2000, $0x38;
	[tilespmem:$0x1F100] =	vst v63  }
0x3d: {  	_ =	swait.ge [sflag:s0], $0x2000  }
0x3e: {  	[sflag:s0] =	ssyncset.done $0x0  }
0x3f: {  	[sflag:s0] =	ssyncadd.s32 $0xFFFFE000  }
0x40: {  	[spmem:s30] =	stream.linear.scatter [tilespmem:s10], [sflag:$0x2], $0x2000, $0x38;
	[tilespmem:$0x1F100] =	vst v63  }
0x41: {  	_ =	swait.ge [sflag:s0], $0x2000  }
0x42: {  	[sflag:s0] =	ssyncset.done $0x0  }
0x43: {  	[sflag:s0] =	ssyncadd.s32 $0xFFFFE000  }
0x44: {  	[spmem:s31] =	stream.linear.scatter [tilespmem:s10], [sflag:$0x2], $0x2000, $0x38;
	[tilespmem:$0x1F100] =	vst v63  }
0x45: {  	_ =	swait.ge [sflag:s0], $0x2000  }
0x46: {  	[sflag:s0] =	ssyncset.done $0x0  }
0x47: {  	s26 =	rddreg [dreg:$0xe];
	[sflag:s0] =	ssyncadd.s32 $0xFFFFE000  }
0x48: {  	[spmem:s26] =	stream.linear.scatter [tilespmem:s10], [sflag:$0x2], $0x2000, $0x38;
	[tilespmem:$0x1F100] =	vst v63  }
0x49: {  	_ =	swait.ge [sflag:s0], $0x2000  }
0x4a: {  	[sflag:s0] =	ssyncset.done $0x0  }
0x4b: {  	s23 =	smov.u32 s29;
	s29 =	rddreg [dreg:$0xf];
	[sflag:s0] =	ssyncadd.s32 $0xFFFFE000  }
0x4c: {  	[spmem:s29] =	stream.linear.scatter [tilespmem:s10], [sflag:$0x2], $0x2000, $0x38;
	[tilespmem:$0x1F100] =	vst v63  }
0x4d: {  	_ =	swait.ge [sflag:s0], $0x2000  }
0x4e: {  	[sflag:s0] =	ssyncset.done $0x0  }
0x4f: {  	s24 =	smov.u32 s30;
	s30 =	rddreg [dreg:$0x10];
	[sflag:s0] =	ssyncadd.s32 $0xFFFFE000  }
0x50: {  	[spmem:s30] =	stream.linear.scatter [tilespmem:s10], [sflag:$0x2], $0x2000, $0x38;
	[tilespmem:$0x1F100] =	vst v63  }
0x51: {  	_ =	swait.ge [sflag:s0], $0x2000  }
0x52: {  	[sflag:s0] =	ssyncset.done $0x0  }
0x53: {  	[sflag:s0] =	ssyncadd.s32 $0xFFFFE000  }
0x54: {  	[spmem:s18] =	stream.linear.scatter [tilespmem:s10], [sflag:$0x2], $0x2000, $0x38;
	[tilespmem:$0x1F100] =	vst v63  }
0x55: {  	_ =	swait.ge [sflag:s0], $0x2000  }
0x56: {  	[sflag:s0] =	ssyncset.done $0x0  }
0x57: {  	s25 =	smov.u32 s31;
	s31 =	rddreg [dreg:$0x11];
	[sflag:s0] =	ssyncadd.s32 $0xFFFFE000  }
0x58: {  	[spmem:s31] =	stream.linear.scatter [tilespmem:s10], [sflag:$0x2], $0x2000, $0x38;
	[tilespmem:$0x1F100] =	vst v63  }
0x59: {  	_ =	swait.ge [sflag:s0], $0x2000  }
0x5a: {  	[sflag:s0] =	ssyncset.done $0x0  }
0x5b: {  	[sflag:s0] =	ssyncadd.s32 $0xFFFFE000  }
0x5c: {  	[spmem:s28] =	stream.linear.scatter [tilespmem:s10], [sflag:$0x2], $0x2000, $0x38;
	[tilespmem:$0x1F100] =	vst v63  }
0x5d: {  	_ =	swait.ge [sflag:s0], $0x2000  }
0x5e: {  	s22 =	smov.u32 s21;
	s12 =	simm.s32 $0x40;
	[sflag:s0] =	ssyncset.done $0x0  }
0x5f: {  	s14 =	simm.s32 $0x0;
	s26 =	smov.u32 s18;
	[sflag:s0] =	ssyncadd.s32 $0xFFFFE000  }
.LBB2_4:
0x60: {  	p0 =	sne.s32 s12, $0x13FC0;
	[tilespmem:s14+$0x1A100] =	vst v1;
	s14 =	smov.u32 s12;
	s12 =	sadd.s32 $0x40, s12  }
.Ltmp1:
0x61: {  	(pc) =	sbr.rel @p0 .LBB2_4-.Ltmp1, $2  }
0x62: {  	_ =	sdelay $0x2  }
0x63: {  	s14 =	sshra.s32 s14, $0x2  }
0x64: {  	[tilespmem:s14+$0x1A100] =	vst v1;
	s12 =	simm.s32 $0x0  }
0x65: {  	s14 =	smov.u32 s19;
	s29 =	simm.s32 $0x0;
	[bflag:$0x0] =	sbarrier.arrive $0xFFFF  }
.LBB2_6:
0x66: {  	s18 =	sshll.u32 s29, $0x6  }
0x67: {  	s18 =	sadd.s32 s19, s18  }
0x68: {  	s18 =	sshrl.u32 s18, $0x3  }
0x69: {  	s20 =	sadd.s32 s16, s18  }
0x6a: {  	[tilespmem:s2], [sflag:$0x2] =	stream.linear.gather [hbm4b:s20+s12], $0x40, $0x38;
	[tilespmem:$0x1F100] =	vst v63  }
0x6b: {  	_ =	swait.ge [sflag:s0], $0x40  }
0x6c: {  	[sflag:s0] =	ssyncset.done $0x0  }
0x6d: {  	s30 =	simm.s32 $0x1A080;
	s18 =	sadd.s32 s17, s18;
	[sflag:s0] =	ssyncadd.s32 $0xFFFFFFC0  }
0x6e: {  	[tilespmem:s30], [sflag:$0x2] =	stream.linear.gather [hbm4b:s18+s12], $0x40, $0x38;
	[tilespmem:$0x1F100] =	vst v63  }
0x6f: {  	_ =	swait.ge [sflag:s0], $0x40  }
0x70: {  	[sflag:s0] =	ssyncset.done $0x0  }
0x71: {  	[sflag:s0] =	ssyncadd.s32 $0xFFFFFFC0  }
0x72: {  	v2 =	vld [tilespmem:$0x1A000]  }
0x73: {  	v3 =	vld [tilespmem:$0x1A080]  }
0x74: {  	v4 =	vld [tilespmem:$0x1A010]  }
0x75: {  	v5 =	vld [tilespmem:$0x1A090]  }
0x76: {  	v6 =	vld [tilespmem:$0x1A020]  }
0x77: {  	v7 =	vld [tilespmem:$0x1A0A0];
	v2 =	vadd.s32 v0, v2  }
0x78: {  	[tilespmem:$0x1A000] =	vst v2;
	v2 =	vadd.s32 v0, v3;
	v3 =	vld [tilespmem:$0x1A030]  }
0x79: {  	[tilespmem:$0x1A080] =	vst v2;
	v2 =	vadd.s32 v0, v4;
	v4 =	vld [tilespmem:$0x1A0B0]  }
0x7a: {  	[tilespmem:$0x1A010] =	vst v2;
	v2 =	vadd.s32 v0, v5  }
0x7b: {  	[tilespmem:$0x1A090] =	vst v2;
	v2 =	vadd.s32 v0, v6  }
0x7c: {  	[tilespmem:$0x1A020] =	vst v2;
	v2 =	vadd.s32 v0, v7  }
0x7d: {  	[tilespmem:$0x1A0A0] =	vst v2;
	v2 =	vadd.s32 v0, v3  }
0x7e: {  	[tilespmem:$0x1A030] =	vst v2;
	v2 =	vadd.s32 v0, v4  }
0x7f: {  	[tilespmem:$0x1A0B0] =	vst v2  }
0x80: {  	[tilespmem:s4], [sflag:$0x1] =	stream.indirect.gather [hbm4b:s15+s3], $0x80, s2, s3, $0xb8;
	[tilespmem:$0x1F100] =	vst v63  }
0x81: {  	_ = 	snop  }
0x82: {  	[tilespmem:s5], [sflag:$0x1] =	stream.indirect.gather [hbm4b:s15+s3], $0x80, s30, s3, $0xb8;
	[tilespmem:$0x1F100] =	vst v63  }
0x83: {  	_ = 	snop  }
0x84: {  	[tilespmem:s10], [sflag:$0x1] =	stream.indirect.gather [hbm4b:s11+s3], $0x80, s2, s3, $0xb8;
	[tilespmem:$0x1F100] =	vst v63  }
0x85: {  	_ =	swait.ge [sflag:s6], $0x2000  }
0x86: {  	[sflag:s6] =	ssyncset.done $0x0  }
0x87: {  	[sflag:s6] =	ssyncadd.s32 $0xFFFFE000  }
0x88: {  	_ =	swait.ge [sflag:s6], $0x2000  }
0x89: {  	[sflag:s6] =	ssyncset.done $0x0  }
0x8a: {  	[sflag:s6] =	ssyncadd.s32 $0xFFFFE000  }
0x8b: {  	_ =	swait.ge [sflag:s6], $0x2000  }
0x8c: {  	[sflag:s6] =	ssyncset.done $0x0  }
0x8d: {  	[sflag:s6] =	ssyncadd.s32 $0xFFFFE000  }
0x8e: {  	v2 =	vld [tilespmem:$0x1A080]  }
0x8f: {  	v3 =	vld [tilespmem:$0x1A090]  }
0x90: {  	v4 =	vld [tilespmem:$0x1A0A0]  }
0x91: {  	v5 =	vld [tilespmem:$0x1A0B0];
	_ =	sdelay $0x1  }
0x92: {  	v2 =	vsub.s32 v2, v0  }
0x93: {  	[tilespmem:$0x1A080] =	vst v2;
	v2 =	vsub.s32 v3, v0  }
0x94: {  	[tilespmem:$0x1A090] =	vst v2;
	v2 =	vsub.s32 v4, v0  }
0x95: {  	[tilespmem:$0x1A0A0] =	vst v2;
	v2 =	vsub.s32 v5, v0  }
0x96: {  	s21 =	simm.s32 $0x0;
	[tilespmem:$0x1A0B0] =	vst v2  }
0x97: {  	v2 =	vld [tilespmem:s21+$0x16000]  }
0x98: {  	v3 =	vld [tilespmem:s21+$0x18000];
	_ =	sdelay $0x4  }
0x99: {  	v4 =	vbroadcast v2, $0x0;
	v5 =	vbroadcast v3, $0x2;
	_ =	sdelay $0x1  }
0x9a: {  	v4 =	vadd.f32 v5, v4  }
0x9b: {  	v2 =	vbroadcast v2, $0x1;
	v3 =	vbroadcast v3, $0x3  }
0x9c: {  	v5 =	vmul.f32 $2.000000030e-01, v4  }
0x9d: {  	v2 =	vadd.f32 v3, v2;
	vm0 =	vge.f32 v4, $0.0e+00  }
0x9e: {  	v3 =	vsel vm0, v4, v5  }
0x9f: {  	v4 =	vmul.f32 $2.000000030e-01, v2;
	v3 =	vmul.f32 $1.442695020e+00, v3  }
0xa0: {  	vm15 =	vge.f32 v2, $0.0e+00  }
0xa1: {  	v2 =	vsel vm15, v2, v4;
	(erf) = vpow2.f32 v3  }
0xa2: {  	v2 =	vmul.f32 $1.442695020e+00, v2;
	_ =	sdelay $0x1  }
0xa3: {  	(erf) = vpow2.f32 v2;
	_ =	sdelay $0x2  }
0xa4: {  	v3 =	vld [tilespmem:s21+$0x14000]  }
0xa5: {  	v4 =	vld [tilespmem:s21+$0x14030]  }
0xa6: {  	v5 =	vld [tilespmem:s21+$0x14010]  }
0xa7: {  	p0 =	slt.s32 s14, $0x27100;
	v61 =	vld [tilespmem:s21+$0x14040];
	v2 =	vpop (erf)  }
0xa8: {  	v62 =	vld [tilespmem:s21+$0x14070];
	v2 =	vpsel !p0, $0x0, v2  }
0xa9: {  	v8 =	vld [tilespmem:s21+$0x14020];
	v9 =	vmul.f32 v2, v3  }
0xaa: {  	v10 =	vld [tilespmem:s21+$0x14050];
	v3 =	vpop (erf);
	v4 =	vmul.f32 v2, v4  }
0xab: {  	v11 =	vld [tilespmem:s21+$0x14060];
	v5 =	vmul.f32 v2, v5;
	v3 =	vpsel !p0, $0x0, v3;
	[tilespmem:s21+$0x14000] =	vst v9  }
0xac: {  	v6 =	vmul.f32 v61, v3;
	[tilespmem:s21+$0x14030] =	vst v4  }
0xad: {  	v4 =	vmul.f32 v62, v3;
	[tilespmem:s21+$0x14010] =	vst v5  }
0xae: {  	v5 =	vmul.f32 v2, v8;
	[tilespmem:s21+$0x14040] =	vst v6  }
0xaf: {  	v63 =	vmul.f32 v10, v3;
	[tilespmem:s21+$0x14070] =	vst v4  }
0xb0: {  	v4 =	vmul.f32 v11, v3;
	[tilespmem:s21+$0x14020] =	vst v5  }
0xb1: {  	[tilespmem:s21+$0x14050] =	vst v63  }
0xb2: {  	[tilespmem:s21+$0x14060] =	vst v4  }
0xb3: {  	v4 =	vld [tilespmem:s30+$0x0];
	_ =	sdelay $0x4  }
0xb4: {  	(v2sf) =	vpush v4, $0x0;
	_ =	sdelay $0xe  }
0xb5: {  	s31 =	smov.u32 s14;
	s20 =	spop (v2sf)  }
0xb6: {  	s18 =	simm.s32 $0x200;
	s21 =	sshll.u32 s20, $0x1;
	s20 =	sshllo.u32 s20, $0x1  }
.LBB2_7:
0xb7: {  	p0 =	sne.s32 s18, $0x7E00;
	v4 =	vmov s21;
	s30 =	sadd.s32 $0x1, s30;
	s31 =	sadd.s32 $0x1, s31  }
0xb8: {  	s21 =	smov.u32 s18;
	s18 =	sadd.s32 $0x200, s18;
	v4 =	vbroadcast v4, $0x0  }
0xb9: {  	v5 =	vmov s20;
	_ =	sdelay $0x4  }
0xba: {  	[tilespmem:v4+s7+$0x0] =	vst.idx.add.f32.msk $0x1, v2  }
0xbb: {  	s20 =	sshra.s32 s21, $0x2;
	[tilespmem:v5+s7+$0x0] =	vst.idx.add.f32.msk $0x1, v3  }
0xbc: {  	v2 =	vld [tilespmem:s20+$0x16000]  }
0xbd: {  	v3 =	vld [tilespmem:s20+$0x18000];
	_ =	sdelay $0x3  }
0xbe: {  	v4 =	vbroadcast v2, $0x0;
	v2 =	vbroadcast v2, $0x1  }
0xbf: {  	v5 =	vbroadcast v3, $0x2;
	v3 =	vbroadcast v3, $0x3;
	_ =	sdelay $0x1  }
0xc0: {  	v4 =	vadd.f32 v5, v4;
	v2 =	vadd.f32 v3, v2;
	_ =	sdelay $0x1  }
0xc1: {  	vm0 =	vge.f32 v4, $0.0e+00;
	v3 =	vmul.f32 $2.000000030e-01, v4;
	v5 =	vmul.f32 $2.000000030e-01, v2  }
0xc2: {  	vm1 =	vge.f32 v2, $0.0e+00  }
0xc3: {  	v3 =	vsel vm0, v4, v3;
	v2 =	vsel vm1, v2, v5  }
0xc4: {  	v3 =	vmul.f32 $1.442695020e+00, v3;
	v2 =	vmul.f32 $1.442695020e+00, v2;
	_ =	sdelay $0x1  }
0xc5: {  	(erf) = vpow2.f32 v3  }
0xc6: {  	(erf) = vpow2.f32 v2  }
0xc7: {  	v4 =	vld [tilespmem:s20+$0x14050]  }
0xc8: {  	v5 =	vld [tilespmem:s20+$0x14070]  }
0xc9: {  	v6 =	vld [tilespmem:s20+$0x14040]  }
0xca: {  	v7 =	vld [tilespmem:s20+$0x14010]  }
0xcb: {  	v8 =	vld [tilespmem:s20+$0x14000]  }
0xcc: {  	v9 =	vld [tilespmem:s20+$0x14030]  }
0xcd: {  	p1 =	slt.s32 s31, $0x27100;
	v10 =	vld [tilespmem:s20+$0x14060]  }
0xce: {  	v11 =	vld [tilespmem:s20+$0x14020];
	v2 =	vpop (erf)  }
0xcf: {  	v2 =	vpsel !p1, $0x0, v2;
	v3 =	vpop (erf)  }
0xd0: {  	v3 =	vpsel !p1, $0x0, v3;
	v8 =	vmul.f32 v2, v8;
	v7 =	vmul.f32 v2, v7  }
0xd1: {  	v9 =	vmul.f32 v2, v9;
	v6 =	vmul.f32 v6, v3  }
0xd2: {  	v5 =	vmul.f32 v5, v3;
	[tilespmem:s20+$0x14000] =	vst v8;
	v8 =	vmul.f32 v10, v3  }
0xd3: {  	v4 =	vmul.f32 v4, v3;
	v10 =	vmul.f32 v2, v11;
	[tilespmem:s20+$0x14030] =	vst v9  }
0xd4: {  	[tilespmem:s20+$0x14010] =	vst v7  }
0xd5: {  	[tilespmem:s20+$0x14040] =	vst v6  }
0xd6: {  	[tilespmem:s20+$0x14070] =	vst v5  }
0xd7: {  	[tilespmem:s20+$0x14020] =	vst v10  }
0xd8: {  	[tilespmem:s20+$0x14050] =	vst v4  }
0xd9: {  	[tilespmem:s20+$0x14060] =	vst v8  }
0xda: {  	v4 =	vld [tilespmem:s30+$0x0];
	_ =	sdelay $0x4  }
0xdb: {  	(v2sf) =	vpush v4, $0x0;
	_ =	sdelay $0xb  }
.Ltmp2:
0xdc: {  	(pc) =	sbr.rel @p0 .LBB2_7-.Ltmp2, $3  }
0xdd: {  	_ =	sdelay $0x1  }
0xde: {  	s20 =	spop (v2sf)  }
0xdf: {  	s21 =	sshll.u32 s20, $0x1;
	s20 =	sshllo.u32 s20, $0x1  }
0xe0: {  	v4 =	vmov s21  }
0xe1: {  	v4 =	vbroadcast v4, $0x0;
	_ =	sdelay $0x1  }
0xe2: {  	v5 =	vmov s20;
	_ =	sdelay $0x2  }
0xe3: {  	s29 =	sadd.s32 $0x1, s29  }
0xe4: {  	p0 =	sne.s32 s29, $0xA0;
	[tilespmem:v4+s7+$0x0] =	vst.idx.add.f32.msk $0x1, v2  }
.Ltmp3:
0xe5: {  	[tilespmem:v5+s7+$0x0] =	vst.idx.add.f32.msk $0x1, v3;
	(pc) =	sbr.rel @p0 .LBB2_6-.Ltmp3, $4  }
0xe6: {  	[spmem:s13] =	stream.indirect.scatter.add.f32 [tilespmem:s10], [sflag:$0x2], $0x80, s8, s3, $0xb8;
	[tilespmem:$0x1F100] =	vst v63  }
0xe7: {  	_ =	swait.ge [sflag:s0], $0x2000  }
0xe8: {  	[sflag:s0] =	ssyncset.done $0x0  }
0xe9: {  	s14 =	sadd.s32 $0x40, s14;
	[sflag:s0] =	ssyncadd.s32 $0xFFFFE000  }
0xea: {  	[bflag:$0x0] =	sbarrier.arrive $0xFFFF  }
0xeb: {  	[tilespmem:s10], [sflag:$0x2] =	stream.linear.gather [spmem:s22], $0x2000, $0x38;
	[tilespmem:$0x1F100] =	vst v63  }
0xec: {  	_ =	swait.ge [sflag:s0], $0x2000  }
0xed: {  	[sflag:s0] =	ssyncset.done $0x0  }
0xee: {  	s12 =	rddreg [dreg:$0x4];
	[sflag:s0] =	ssyncadd.s32 $0xFFFFE000  }
0xef: {  	[hbm4b:s12+s1] =	stream.linear.scatter [tilespmem:s10], [sflag:$0x2], $0x2000, $0x38;
	[tilespmem:$0x1F100] =	vst v63  }
0xf0: {  	_ =	swait.ge [sflag:s0], $0x2000  }
0xf1: {  	[sflag:s0] =	ssyncset.done $0x0  }
0xf2: {  	[sflag:s0] =	ssyncadd.s32 $0xFFFFE000  }
0xf3: {  	[tilespmem:s10], [sflag:$0x2] =	stream.linear.gather [spmem:s23], $0x2000, $0x38;
	[tilespmem:$0x1F100] =	vst v63  }
0xf4: {  	_ =	swait.ge [sflag:s0], $0x2000  }
0xf5: {  	[sflag:s0] =	ssyncset.done $0x0  }
0xf6: {  	s14 =	rddreg [dreg:$0x5];
	[sflag:s0] =	ssyncadd.s32 $0xFFFFE000  }
0xf7: {  	[hbm4b:s14+s1] =	stream.linear.scatter [tilespmem:s10], [sflag:$0x2], $0x2000, $0x38;
	[tilespmem:$0x1F100] =	vst v63  }
0xf8: {  	_ =	swait.ge [sflag:s0], $0x2000  }
0xf9: {  	[sflag:s0] =	ssyncset.done $0x0  }
0xfa: {  	[sflag:s0] =	ssyncadd.s32 $0xFFFFE000  }
0xfb: {  	[tilespmem:s10], [sflag:$0x2] =	stream.linear.gather [spmem:s24], $0x2000, $0x38;
	[tilespmem:$0x1F100] =	vst v63  }
0xfc: {  	_ =	swait.ge [sflag:s0], $0x2000  }
0xfd: {  	[sflag:s0] =	ssyncset.done $0x0  }
0xfe: {  	s18 =	rddreg [dreg:$0x6];
	[sflag:s0] =	ssyncadd.s32 $0xFFFFE000  }
0xff: {  	[hbm4b:s18+s1] =	stream.linear.scatter [tilespmem:s10], [sflag:$0x2], $0x2000, $0x38;
	[tilespmem:$0x1F100] =	vst v63  }
0x100: {  	_ =	swait.ge [sflag:s0], $0x2000  }
0x101: {  	[sflag:s0] =	ssyncset.done $0x0  }
0x102: {  	[sflag:s0] =	ssyncadd.s32 $0xFFFFE000  }
0x103: {  	[tilespmem:s10], [sflag:$0x2] =	stream.linear.gather [spmem:s25], $0x2000, $0x38;
	[tilespmem:$0x1F100] =	vst v63  }
0x104: {  	_ =	swait.ge [sflag:s0], $0x2000  }
0x105: {  	[sflag:s0] =	ssyncset.done $0x0  }
0x106: {  	s20 =	rddreg [dreg:$0x7];
	[sflag:s0] =	ssyncadd.s32 $0xFFFFE000  }
0x107: {  	[hbm4b:s20+s1] =	stream.linear.scatter [tilespmem:s10], [sflag:$0x2], $0x2000, $0x38;
	[tilespmem:$0x1F100] =	vst v63  }
0x108: {  	_ =	swait.ge [sflag:s0], $0x2000  }
0x109: {  	[sflag:s0] =	ssyncset.done $0x0  }
0x10a: {  	s21 =	smov.u32 s22;
	s22 =	rddreg [dreg:$0xe];
	[sflag:s0] =	ssyncadd.s32 $0xFFFFE000  }
0x10b: {  	[tilespmem:s10], [sflag:$0x2] =	stream.linear.gather [spmem:s22], $0x2000, $0x38;
	[tilespmem:$0x1F100] =	vst v63  }
0x10c: {  	_ =	swait.ge [sflag:s0], $0x2000  }
0x10d: {  	[sflag:s0] =	ssyncset.done $0x0  }
0x10e: {  	s29 =	smov.u32 s23;
	s23 =	rddreg [dreg:$0x8];
	[sflag:s0] =	ssyncadd.s32 $0xFFFFE000  }
0x10f: {  	[hbm4b:s23+s1] =	stream.linear.scatter [tilespmem:s10], [sflag:$0x2], $0x2000, $0x38;
	[tilespmem:$0x1F100] =	vst v63  }
0x110: {  	_ =	swait.ge [sflag:s0], $0x2000  }
0x111: {  	[sflag:s0] =	ssyncset.done $0x0  }
0x112: {  	s30 =	smov.u32 s24;
	s24 =	rddreg [dreg:$0xf];
	[sflag:s0] =	ssyncadd.s32 $0xFFFFE000  }
0x113: {  	[tilespmem:s10], [sflag:$0x2] =	stream.linear.gather [spmem:s24], $0x2000, $0x38;
	[tilespmem:$0x1F100] =	vst v63  }
0x114: {  	_ =	swait.ge [sflag:s0], $0x2000  }
0x115: {  	[sflag:s0] =	ssyncset.done $0x0  }
0x116: {  	s31 =	smov.u32 s25;
	s25 =	rddreg [dreg:$0x9];
	[sflag:s0] =	ssyncadd.s32 $0xFFFFE000  }
0x117: {  	[hbm4b:s25+s1] =	stream.linear.scatter [tilespmem:s10], [sflag:$0x2], $0x2000, $0x38;
	[tilespmem:$0x1F100] =	vst v63  }
0x118: {  	_ =	swait.ge [sflag:s0], $0x2000  }
0x119: {  	[sflag:s0] =	ssyncset.done $0x0  }
0x11a: {  	s14 =	rddreg [dreg:$0x10];
	[sflag:s0] =	ssyncadd.s32 $0xFFFFE000  }
0x11b: {  	[tilespmem:s10], [sflag:$0x2] =	stream.linear.gather [spmem:s14], $0x2000, $0x38;
	[tilespmem:$0x1F100] =	vst v63  }
0x11c: {  	_ =	swait.ge [sflag:s0], $0x2000  }
0x11d: {  	[sflag:s0] =	ssyncset.done $0x0  }
0x11e: {  	s18 =	rddreg [dreg:$0xa];
	[sflag:s0] =	ssyncadd.s32 $0xFFFFE000  }
0x11f: {  	[hbm4b:s18+s1] =	stream.linear.scatter [tilespmem:s10], [sflag:$0x2], $0x2000, $0x38;
	[tilespmem:$0x1F100] =	vst v63  }
0x120: {  	_ =	swait.ge [sflag:s0], $0x2000  }
0x121: {  	[sflag:s0] =	ssyncset.done $0x0  }
0x122: {  	[sflag:s0] =	ssyncadd.s32 $0xFFFFE000  }
0x123: {  	[tilespmem:s10], [sflag:$0x2] =	stream.linear.gather [spmem:s26], $0x2000, $0x38;
	[tilespmem:$0x1F100] =	vst v63  }
0x124: {  	_ =	swait.ge [sflag:s0], $0x2000  }
0x125: {  	[sflag:s0] =	ssyncset.done $0x0  }
0x126: {  	s20 =	rddreg [dreg:$0xb];
	[sflag:s0] =	ssyncadd.s32 $0xFFFFE000  }
0x127: {  	[hbm4b:s20+s1] =	stream.linear.scatter [tilespmem:s10], [sflag:$0x2], $0x2000, $0x38;
	[tilespmem:$0x1F100] =	vst v63  }
0x128: {  	_ =	swait.ge [sflag:s0], $0x2000  }
0x129: {  	[sflag:s0] =	ssyncset.done $0x0  }
0x12a: {  	s22 =	rddreg [dreg:$0x11];
	[sflag:s0] =	ssyncadd.s32 $0xFFFFE000  }
0x12b: {  	[tilespmem:s10], [sflag:$0x2] =	stream.linear.gather [spmem:s22], $0x2000, $0x38;
	[tilespmem:$0x1F100] =	vst v63  }
0x12c: {  	_ =	swait.ge [sflag:s0], $0x2000  }
0x12d: {  	[sflag:s0] =	ssyncset.done $0x0  }
0x12e: {  	s23 =	rddreg [dreg:$0xc];
	[sflag:s0] =	ssyncadd.s32 $0xFFFFE000  }
0x12f: {  	[hbm4b:s23+s1] =	stream.linear.scatter [tilespmem:s10], [sflag:$0x2], $0x2000, $0x38;
	[tilespmem:$0x1F100] =	vst v63  }
0x130: {  	_ =	swait.ge [sflag:s0], $0x2000  }
0x131: {  	[sflag:s0] =	ssyncset.done $0x0  }
0x132: {  	[sflag:s0] =	ssyncadd.s32 $0xFFFFE000  }
0x133: {  	[tilespmem:s10], [sflag:$0x2] =	stream.linear.gather [spmem:s28], $0x2000, $0x38;
	[tilespmem:$0x1F100] =	vst v63  }
0x134: {  	_ =	swait.ge [sflag:s0], $0x2000  }
0x135: {  	[sflag:s0] =	ssyncset.done $0x0  }
0x136: {  	s24 =	rddreg [dreg:$0xd];
	[sflag:s0] =	ssyncadd.s32 $0xFFFFE000  }
0x137: {  	[hbm4b:s24+s1] =	stream.linear.scatter [tilespmem:s10], [sflag:$0x2], $0x2000, $0x38;
	[tilespmem:$0x1F100] =	vst v63  }
0x138: {  	_ =	swait.ge [sflag:s0], $0x2000  }
0x139: {  	[sflag:s0] =	ssyncset.done $0x0  }
0x13a: {  	s25 =	rddreg [dreg:$0x12];
	[sflag:s0] =	ssyncadd.s32 $0xFFFFE000  }
0x13b: {  	[hbm4b:s25+s1] =	stream.linear.scatter [tilespmem:s7], [sflag:$0x2], $0x5000, $0x38;
	[tilespmem:$0x1F100] =	vst v63  }
0x13c: {  	_ =	swait.ge [sflag:s0], $0x5000  }
0x13d: {  	s9 =	sadd.s32 $0x1, s9;
	s18 =	smov.u32 s26;
	s26 =	rddreg [dreg:$0x13]  }
0x13e: {  	p0 =	sne.s32 s9, s26  }
.Ltmp4:
0x13f: {  	_ = 	snop;
	(pc) =	sbr.rel @p0 .LBB2_1-.Ltmp4, $3  }
0x140: {  	_ =	sdelay $0x1  }
0x141: {  	[sflag:s0] =	ssyncset.done $0x0  }
0x142: {  	[sflag:s0] =	ssyncadd.s32 $0xFFFFB000  }
0x143: {  	_ =	sfence.sel $0x180000  }
0x144: {  	[bflag:$0x0] =	sbarrier.arrive $0xFFFF  }
0x145: {  	_ =	strace $0x90000047  }
0x146: {  	s0 =	stileid.u32;
	[bflag:$0x2] =	sbarrier.arrive $0xFFFF  }
0x147: {  	p0 =	sne.s32 s0, $0x0;
	s0 =	rddreg [dreg:$0x3]  }
0x148: {  	s0 =	sadd.s32 @!p0 $0x100000, s0  }
0x149: {  	[sflag:s0] =	ssyncadd.tile.s32 @!p0 $0x1;
	_ =	shalt  }
.Lfunc_end2:
_tile_overlayer_lowered:
.L_overlay_start_2:
0x14a: {  	(tag) =	ssettag $0x2  }
0x14b: {  	s0 =	rddreg [dreg:$0x0];
	s2 =	stileid.u32  }
0x14c: {  	s1 =	rddreg [dreg:$0x1];
	p0 =	sne.s32 s2, $0x0  }
0x14d: {  	s3 =	rddreg [dreg:$0x2];
	[bflag:$0x3] =	sbarrier.arrive $0xFFFF;
	s2 =	simm.s32 @!p0 $0x1C02  }
0x14e: {  	[timem:s3], [sflag:s2] =	dma.local @!p0 [hbm:s0], s1  }
0x14f: {  	s0 =	simm.s32 @!p0 $0x2  }
0x150: {  	_ =	swait.ge @!p0 [sflag:s0], s1  }
0x151: {  	s1 =	ssub.s32 @!p0 $0x0, s1;
	[sflag:s0] =	ssyncset.done @!p0 $0x0  }
0x152: {  	[sflag:s0] =	ssyncadd.s32 @!p0 s1  }
0x153: {  	[bflag:$0x3] =	sbarrier.arrive $0xFFFF  }
0x154: {  	_ =	shalt  }

</sc_bundles>
